<compile_context>
chip_gen: v7x
topology: tpu7x:2x2x1
jax: 0.10.2.dev20260603
libtpu: 0.0.44.dev20260713+nightly
codegen_flags: <defaults>
</compile_context>

<pallas_src>
import functools

import jax
import jax.numpy as jnp
from jax import lax
from jax.experimental import pallas as pl
from jax.experimental.pallas import tpu as pltpu
from jax.experimental.pallas import tpu_sc as plsc

N = 10000
E = 320000
D = 128
G = 64

N_P = 10240
ROWS_PER_TILE = N_P // 16
NC, NS = 2, 16
NW = NC * NS
CHUNK = 96
CPW = 112
CHUNKS = NW * CPW
CHUNKS_PAD = CHUNKS
E_PAD = CHUNKS_PAD * CHUNK
NBUF = 3

def _make_seg_sum():

  @functools.partial(
      pl.kernel,
      out_type=jax.ShapeDtypeStruct((NC, N_P, D), jnp.float32),
      mesh=plsc.VectorSubcoreMesh(core_axis_name="c", subcore_axis_name="s"),
      scratch_types=[
          pltpu.VMEM((CPW * CHUNK,), jnp.int32),
          pltpu.VMEM((NBUF, 1, CHUNK), jnp.int32),
          pltpu.VMEM((NBUF, CHUNK, D), jnp.float32),
          pltpu.VMEM_SHARED((N_P, D), jnp.float32),
          pltpu.SemaphoreType.DMA((NBUF,)),
          pltpu.SemaphoreType.DMA((NBUF,)),
          pltpu.SemaphoreType.DMA((NBUF,)),
      ],
  )
  def seg_sum(table_hbm, srcp_hbm, dstp_hbm, zeros_hbm, out_hbm,
              src_v, dst_v, rows_v, acc_sh, gsem, dsem, ssem):
    cid = lax.axis_index("c")
    sid = lax.axis_index("s")
    wid = sid * NC + cid
    chunk_off = wid * CPW
    src_of = lambda j: src_v.at[pl.ds(j * CHUNK, CHUNK)]

    pltpu.sync_copy(zeros_hbm, acc_sh.at[pl.ds(sid * ROWS_PER_TILE,
                                               ROWS_PER_TILE)])
    pltpu.sync_copy(srcp_hbm.at[pl.ds(chunk_off * CHUNK, CPW * CHUNK)], src_v)
    plsc.subcore_barrier()

    for b in range(2):
      pltpu.async_copy(table_hbm.at[src_of(b)], rows_v.at[b], gsem.at[b])
      pltpu.async_copy(dstp_hbm.at[chunk_off + b], dst_v.at[b], dsem.at[b])

    @pl.loop(0, CPW)
    def _(j):
      b = lax.rem(j, NBUF)
      p = lax.rem(j + 2, NBUF)
      pltpu.make_async_copy(table_hbm.at[src_of(j)], rows_v.at[b],
                            gsem.at[b]).wait()
      pltpu.make_async_copy(dstp_hbm.at[chunk_off + j], dst_v.at[b],
                            dsem.at[b]).wait()
      pltpu.async_copy(rows_v.at[b], acc_sh.at[dst_v.at[b, 0]], ssem.at[b],
                       add=True)

      @pl.when(j >= 1)
      def _():
        pltpu.make_async_copy(rows_v.at[p], acc_sh.at[dst_v.at[p, 0]],
                              ssem.at[p]).wait()
      nj = j + 2

      @pl.when(nj < CPW)
      def _():
        pltpu.async_copy(table_hbm.at[src_of(nj)], rows_v.at[p], gsem.at[p])
        pltpu.async_copy(dstp_hbm.at[chunk_off + nj], dst_v.at[p], dsem.at[p])

    lb = (CPW - 1) % NBUF
    pltpu.make_async_copy(rows_v.at[lb], acc_sh.at[dst_v.at[lb, 0]],
                          ssem.at[lb]).wait()

    plsc.subcore_barrier()
    rows = pl.ds(sid * ROWS_PER_TILE, ROWS_PER_TILE)
    pltpu.sync_copy(acc_sh.at[rows], out_hbm.at[cid, rows])

  return seg_sum


def _dot_t(a, b):
  return lax.dot_general(a, b, (((1,), (1,)), ((), ())),
                         preferred_element_type=jnp.float32)


_NB = 8
_BR = N_P // _NB


def _conv_block(agg_ref, x_ref, wrel_ref, wroot_ref, b_ref, o_ref):
  agg = agg_ref[0] + agg_ref[1]
  h = _dot_t(agg, wrel_ref[...]) + _dot_t(x_ref[...], wroot_ref[...]) + b_ref[...]
  o_ref[...] = jnp.maximum(h, 0.0)


def _layer1(agg, x_p, W_rel1, b_rel1, W_root1):
  return pl.pallas_call(
      _conv_block,
      grid=(_NB,),
      in_specs=[
          pl.BlockSpec((2, _BR, D), lambda i: (0, i, 0)),
          pl.BlockSpec((_BR, D), lambda i: (i, 0)),
          pl.BlockSpec((D, D), lambda i: (0, 0)),
          pl.BlockSpec((D, D), lambda i: (0, 0)),
          pl.BlockSpec((1, D), lambda i: (0, 0)),
      ],
      out_specs=pl.BlockSpec((_BR, D), lambda i: (i, 0)),
      out_shape=jax.ShapeDtypeStruct((N_P, D), jnp.float32),
  )(agg, x_p, W_rel1, W_root1, b_rel1.reshape(1, D))


def _head_block(agg_ref, h1_ref, wrel_ref, wroot_ref, b_ref,
                fc1_ref, fc1b_ref, fc2_ref, fc2b_ref, batch_ref,
                mid_ref, pool_ref, out_ref):
  i = pl.program_id(0)

  agg = agg_ref[0] + agg_ref[1]
  h2 = _dot_t(agg, wrel_ref[...]) + _dot_t(h1_ref[...], wroot_ref[...]) + b_ref[...]
  h2 = jnp.maximum(h2, 0.0)

  lane = lax.broadcasted_iota(jnp.int32, (_BR, D), 1)
  m8 = lane < 8
  neg = jnp.float32(-jnp.inf)
  mx = jnp.max(jnp.where(m8, h2, neg), axis=1, keepdims=True)
  e = jnp.where(m8, jnp.exp(h2 - mx), 0.0)
  s = jnp.sum(e, axis=1, keepdims=True)
  mid_ref[...] = (e / s)[:, :8]

  z = jnp.maximum(_dot_t(h2, fc1_ref[...]) + fc1b_ref[...], 0.0)
  z2 = jnp.maximum(_dot_t(z, fc2_ref[...]) + fc2b_ref[...], 0.0)

  b = batch_ref[...]
  seg = lax.broadcasted_iota(jnp.int32, (_BR, D), 1).astype(jnp.float32)
  mask = b == seg
  r0 = jnp.max(jnp.where(mask, z2[:, 0:1], neg), axis=0, keepdims=True)
  r1 = jnp.max(jnp.where(mask, z2[:, 1:2], neg), axis=0, keepdims=True)

  row = lax.broadcasted_iota(jnp.int32, (8, D), 0)
  upd = jnp.where(row == 0, r0, jnp.where(row == 1, r1, neg))

  @pl.when(i == 0)
  def _():
    pool_ref[...] = jnp.full((8, D), neg, jnp.float32)

  pool_ref[...] = jnp.maximum(pool_ref[...], upd)

  p = pool_ref[...]
  p0 = p[0:1, :]
  p1 = p[1:2, :]
  pmx = jnp.maximum(p0, p1)
  e0 = jnp.exp(p0 - pmx)
  e1 = jnp.exp(p1 - pmx)
  ps = e0 + e1
  out_ref[...] = jnp.where(row == 0, e0 / ps, jnp.where(row == 1, e1 / ps, 0.0))


def _head(agg, h1, W_rel2, b_rel2, W_root2, fc1_W, fc1_b, fc2_W, fc2_b,
          batch_2d):
  return pl.pallas_call(
      _head_block,
      grid=(_NB,),
      in_specs=[
          pl.BlockSpec((2, _BR, D), lambda i: (0, i, 0)),
          pl.BlockSpec((_BR, D), lambda i: (i, 0)),
          pl.BlockSpec((D, D), lambda i: (0, 0)),
          pl.BlockSpec((D, D), lambda i: (0, 0)),
          pl.BlockSpec((1, D), lambda i: (0, 0)),
          pl.BlockSpec((8, D), lambda i: (0, 0)),
          pl.BlockSpec((1, 8), lambda i: (0, 0)),
          pl.BlockSpec((2, 8), lambda i: (0, 0)),
          pl.BlockSpec((1, 2), lambda i: (0, 0)),
          pl.BlockSpec((_BR, 1), lambda i: (i, 0)),
      ],
      out_specs=[
          pl.BlockSpec((_BR, 8), lambda i: (i, 0)),
          pl.BlockSpec((8, D), lambda i: (0, 0)),
          pl.BlockSpec((8, D), lambda i: (0, 0)),
      ],
      out_shape=[
          jax.ShapeDtypeStruct((N_P, 8), jnp.float32),
          jax.ShapeDtypeStruct((8, D), jnp.float32),
          jax.ShapeDtypeStruct((8, D), jnp.float32),
      ],
  )(agg, h1, W_rel2, W_root2, b_rel2.reshape(1, D),
    fc1_W, fc1_b.reshape(1, 8), fc2_W, fc2_b.reshape(1, 2), batch_2d)


def kernel(x, edge_index, batch, W_rel1, b_rel1, W_root1, W_rel2, b_rel2,
           W_root2, fc1_W, fc1_b, fc2_W, fc2_b):
  src = edge_index[0].astype(jnp.int32)
  dst = edge_index[1].astype(jnp.int32)
  pad = E_PAD - E
  padv = jnp.arange(pad, dtype=jnp.int32)
  src_p = jnp.concatenate([src, padv % N])
  dst_p = jnp.concatenate([dst, N + padv % (N_P - N)])
  dst_p = dst_p.reshape(CHUNKS_PAD, 1, CHUNK)
  zeros = jnp.zeros((ROWS_PER_TILE, D), jnp.float32)

  x_p = jnp.pad(x, ((0, N_P - N), (0, 0)))

  seg_sum = _make_seg_sum()
  agg1 = seg_sum(x_p, src_p, dst_p, zeros)
  h1 = _layer1(agg1, x_p, W_rel1, b_rel1, W_root1)
  agg2 = seg_sum(h1, src_p, dst_p, zeros)

  batch_2d = jnp.concatenate([batch.astype(jnp.int32),
                              jnp.full((N_P - N,), G, jnp.int32)])
  batch_2d = batch_2d.astype(jnp.float32).reshape(N_P, 1)

  mid_p, _, out_p = _head(agg2, h1, W_rel2, b_rel2, W_root2,
                          fc1_W, fc1_b, fc2_W, fc2_b, batch_2d)

  mid = mid_p[:N]
  out = out_p[:2, :G].T
  return (mid, out)

# --- scband reference (transcript-rebuilt; emitter-appended) ---
"""Pipeline reference for scband-my-gnn2-17016660427425 (READ-ONLY COPY).

The authoritative reference and input builder live on the scoring server;
editing this copy changes nothing except your own understanding.
"""

import jax, jax.numpy as jnp
import numpy as np

N = 10000
E = 320000
D_IN = 128
D_HID = 128
D_OUT = 128
NUM_GRAPHS = 64


def setup_inputs(seed: int = 0) -> dict:
    key = jax.random.key(seed)
    ks = jax.random.split(key, 16)
    x = jax.random.normal(ks[0], (N, D_IN), dtype=jnp.float32)
    edge_index = jax.random.randint(ks[1], (2, E), 0, N)
    batch = jnp.sort(jax.random.randint(ks[2], (N,), 0, NUM_GRAPHS))
    s1 = 1.0 / np.sqrt(D_IN)
    s2 = 1.0 / np.sqrt(D_HID)
    s3 = 1.0 / np.sqrt(D_OUT)
    s4 = 1.0 / np.sqrt(8.0)
    W_rel1 = jax.random.uniform(ks[3], (D_HID, D_IN), minval=-s1, maxval=s1, dtype=jnp.float32)
    b_rel1 = jax.random.uniform(ks[4], (D_HID,), minval=-s1, maxval=s1, dtype=jnp.float32)
    W_root1 = jax.random.uniform(ks[5], (D_HID, D_IN), minval=-s1, maxval=s1, dtype=jnp.float32)
    W_rel2 = jax.random.uniform(ks[6], (D_OUT, D_HID), minval=-s2, maxval=s2, dtype=jnp.float32)
    b_rel2 = jax.random.uniform(ks[7], (D_OUT,), minval=-s2, maxval=s2, dtype=jnp.float32)
    W_root2 = jax.random.uniform(ks[8], (D_OUT, D_HID), minval=-s2, maxval=s2, dtype=jnp.float32)
    fc1_W = jax.random.uniform(ks[9], (8, D_OUT), minval=-s3, maxval=s3, dtype=jnp.float32)
    fc1_b = jax.random.uniform(ks[10], (8,), minval=-s3, maxval=s3, dtype=jnp.float32)
    fc2_W = jax.random.uniform(ks[11], (2, 8), minval=-s4, maxval=s4, dtype=jnp.float32)
    fc2_b = jax.random.uniform(ks[12], (2,), minval=-s4, maxval=s4, dtype=jnp.float32)
    return {"x": x, "edge_index": edge_index, "batch": batch,
            "W_rel1": W_rel1, "b_rel1": b_rel1, "W_root1": W_root1,
            "W_rel2": W_rel2, "b_rel2": b_rel2, "W_root2": W_root2,
            "fc1_W": fc1_W, "fc1_b": fc1_b, "fc2_W": fc2_W, "fc2_b": fc2_b}


def reference(x, edge_index, batch, W_rel1, b_rel1, W_root1, W_rel2, b_rel2, W_root2, fc1_W, fc1_b, fc2_W, fc2_b):
    src = edge_index[0]
    dst = edge_index[1]

    def graph_conv(h, W_rel, b_rel, W_root):
        # PyG GraphConv (aggr='add'): out = lin_rel(sum_{j->i} h_j) + lin_root(h_i)
        agg = jax.ops.segment_sum(h[src], dst, num_segments=N)
        return agg @ W_rel.T + b_rel + h @ W_root.T

    h = jax.nn.relu(graph_conv(x, W_rel1, b_rel1, W_root1))
    h = jax.nn.relu(graph_conv(h, W_rel2, b_rel2, W_root2))
    mid = jax.nn.softmax(h[:, :8], axis=1)
    z = jax.nn.relu(h @ fc1_W.T + fc1_b)
    z = jax.nn.relu(z @ fc2_W.T + fc2_b)
    pooled = jax.ops.segment_max(z, batch, num_segments=NUM_GRAPHS)
    out = jax.nn.softmax(pooled, axis=1)
    return (mid, out)

if __name__ == "__main__":
    import jax
    _d = setup_inputs()
    print(jax.jit(kernel)(*tuple(_d.values())))

</pallas_src>

<mosaic_0001>
#map = affine_map<(d0, d1) -> (0, 0)>
#map1 = affine_map<(d0, d1) -> (0)>
#map2 = affine_map<(d0, d1) -> (0, 0, 0)>
module attributes {stable_mosaic.version = 14 : i64} {
  func.func @seg_sum(%arg0: i32, %arg1: i32, %arg2: memref<10240x128xf32, #tpu.memory_space<hbm>>, %arg3: memref<344064xi32, #tpu.memory_space<hbm>>, %arg4: memref<3584x1x96xi32, #tpu.memory_space<hbm>>, %arg5: memref<640x128xf32, #tpu.memory_space<hbm>>, %arg6: memref<2x10240x128xf32, #tpu.memory_space<hbm>>, %arg7: memref<10752xi32, #tpu.memory_space<vmem>>, %arg8: memref<3x1x96xi32, #tpu.memory_space<vmem>>, %arg9: memref<3x96x128xf32, #tpu.memory_space<vmem>>, %arg10: memref<10240x128xf32, #tpu.memory_space<vmem_shared>>, %arg11: memref<3x!tpu.dma_semaphore, #tpu.memory_space<semaphore_mem>>, %arg12: memref<3x!tpu.dma_semaphore, #tpu.memory_space<semaphore_mem>>, %arg13: memref<3x!tpu.dma_semaphore, #tpu.memory_space<semaphore_mem>>) attributes {dimension_semantics = [#tpu.dimension_semantics<core_parallel>, #tpu.dimension_semantics<subcore_parallel>], iteration_bounds = array<i64: 2, 16>, scalar_prefetch = 0 : i64, scratch_operands = 7 : i64, tpu.core_type = #tpu.core_type<sc_vector_subcore>, window_params = [{transform_indices = #map}, {transform_indices = #map1}, {transform_indices = #map2}, {transform_indices = #map}, {transform_indices = #map2}]} {
    %mul3A = arith.constant 2 : i32
    %mul3A_0 = arith.muli %arg1, %mul3A : i32
    %add3A = arith.addi %mul3A_0, %arg0 : i32
    %mul3A_1 = arith.constant 112 : i32
    %mul3A_2 = arith.muli %add3A, %mul3A_1 : i32
    %mul3A_3 = arith.constant 640 : i32
    %mul3A_4 = arith.muli %arg1, %mul3A_3 : i32
    "tpu.region"() ({
      %run_scoped3A = tpu.sem_alloc : memref<!tpu.dma_semaphore, #tpu.memory_space<semaphore_mem>>
      %dma_start3A_98 = arith.constant 0 : i32
      %dma_start3A_99 = tpu.memref_slice %arg10[%mul3A_4, %dma_start3A_98] : memref<10240x128xf32, #tpu.memory_space<vmem_shared>> -> memref<640x128xf32, #tpu.memory_space<vmem_shared>>
      tpu.enqueue_dma source(%arg5 : memref<640x128xf32, #tpu.memory_space<hbm>>) target(%dma_start3A_99 : memref<640x128xf32, #tpu.memory_space<vmem_shared>>) target_semaphore(%run_scoped3A : memref<!tpu.dma_semaphore, #tpu.memory_space<semaphore_mem>>)
      %dma_wait3A_100 = arith.constant 0 : i32
      %dma_wait3A_101 = tpu.memref_slice %arg10[%mul3A_4, %dma_wait3A_100] : memref<10240x128xf32, #tpu.memory_space<vmem_shared>> -> memref<640x128xf32, #tpu.memory_space<vmem_shared>>
      tpu.wait_dma2 semaphore(%run_scoped3A : memref<!tpu.dma_semaphore, #tpu.memory_space<semaphore_mem>>) src(%arg5 : memref<640x128xf32, #tpu.memory_space<hbm>>) dst(%dma_wait3A_101 : memref<640x128xf32, #tpu.memory_space<vmem_shared>>)
      tpu.yield
    }) : () -> ()
    %mul3A_5 = arith.constant 96 : i32
    %mul3A_6 = arith.muli %mul3A_2, %mul3A_5 : i32
    "tpu.region"() ({
      %run_scoped3A = tpu.sem_alloc : memref<!tpu.dma_semaphore, #tpu.memory_space<semaphore_mem>>
      %dma_start3A_98 = tpu.memref_slice %arg3[%mul3A_6] : memref<344064xi32, #tpu.memory_space<hbm>> -> memref<10752xi32, #tpu.memory_space<hbm>>
      %dma_start3A_99 = tpu.memref_slice %arg3[%mul3A_6] : memref<344064xi32, #tpu.memory_space<hbm>> -> memref<10752xi32, #tpu.memory_space<hbm>>
      tpu.enqueue_dma source(%dma_start3A_99 : memref<10752xi32, #tpu.memory_space<hbm>>) target(%arg7 : memref<10752xi32, #tpu.memory_space<vmem>>) target_semaphore(%run_scoped3A : memref<!tpu.dma_semaphore, #tpu.memory_space<semaphore_mem>>)
      %dma_wait3A_100 = tpu.memref_slice %arg3[%mul3A_6] : memref<344064xi32, #tpu.memory_space<hbm>> -> memref<10752xi32, #tpu.memory_space<hbm>>
      %dma_wait3A_101 = tpu.memref_slice %arg3[%mul3A_6] : memref<344064xi32, #tpu.memory_space<hbm>> -> memref<10752xi32, #tpu.memory_space<hbm>>
      tpu.wait_dma2 semaphore(%run_scoped3A : memref<!tpu.dma_semaphore, #tpu.memory_space<semaphore_mem>>) src(%dma_wait3A_101 : memref<10752xi32, #tpu.memory_space<hbm>>) dst(%arg7 : memref<10752xi32, #tpu.memory_space<vmem>>)
      tpu.yield
    }) : () -> ()
    %barrier3A = arith.constant 0 : index
    tpu.barrier barrier_id(%barrier3A)
    %dma_start3A = arith.constant 0 : i32
    %dma_start3A_7 = arith.constant 0 : i32
    %dma_start3A_8 = arith.constant 0 : i32
    %dma_start3A_9 = arith.constant 0 : i32
    %dma_start3A_10 = tpu.memref_slice %arg9[%dma_start3A, %dma_start3A_8, %dma_start3A_9] : memref<3x96x128xf32, #tpu.memory_space<vmem>> -> memref<1x96x128xf32, #tpu.memory_space<vmem>>
    %dma_start3A_11 = tpu.memref_squeeze %dma_start3A_10 : memref<1x96x128xf32, #tpu.memory_space<vmem>> -> memref<96x128xf32, #tpu.memory_space<vmem>>
    %dma_start3A_12 = arith.constant 0 : i32
    %dma_start3A_13 = tpu.memref_slice %arg7[%dma_start3A_12] : memref<10752xi32, #tpu.memory_space<vmem>> -> memref<96xi32, #tpu.memory_space<vmem>>
    %dma_start3A_14 = arith.constant 0 : i32
    %dma_start3A_15 = arith.constant 0 : i32
    %dma_start3A_16 = tpu.memref_slice %arg2[%dma_start3A_14, %dma_start3A_15] : memref<10240x128xf32, #tpu.memory_space<hbm>> -> memref<10240x128xf32, #tpu.memory_space<hbm>>
    %dma_start3A_17 = tpu.memref_slice %arg11[%dma_start3A_7] : memref<3x!tpu.dma_semaphore, #tpu.memory_space<semaphore_mem>> -> memref<1x!tpu.dma_semaphore, #tpu.memory_space<semaphore_mem>>
    %dma_start3A_18 = tpu.memref_squeeze %dma_start3A_17 : memref<1x!tpu.dma_semaphore, #tpu.memory_space<semaphore_mem>> -> memref<!tpu.dma_semaphore, #tpu.memory_space<semaphore_mem>>
    tpu.enqueue_indirect_dma source(%dma_start3A_16 : memref<10240x128xf32, #tpu.memory_space<hbm>>) target(%dma_start3A_11 : memref<96x128xf32, #tpu.memory_space<vmem>>) offsets(%dma_start3A_13 : memref<96xi32, #tpu.memory_space<vmem>>) semaphore(%dma_start3A_18 : memref<!tpu.dma_semaphore, #tpu.memory_space<semaphore_mem>>)
    %add3A_19 = arith.constant 0 : i32
    %add3A_20 = arith.addi %mul3A_2, %add3A_19 : i32
    %dma_start3A_21 = arith.constant 0 : i32
    %dma_start3A_22 = arith.constant 0 : i32
    %dma_start3A_23 = arith.constant 0 : i32
    %dma_start3A_24 = arith.constant 0 : i32
    %dma_start3A_25 = tpu.memref_slice %arg8[%dma_start3A_21, %dma_start3A_23, %dma_start3A_24] : memref<3x1x96xi32, #tpu.memory_space<vmem>> -> memref<1x1x96xi32, #tpu.memory_space<vmem>>
    %dma_start3A_26 = tpu.memref_squeeze %dma_start3A_25 : memref<1x1x96xi32, #tpu.memory_space<vmem>> -> memref<1x96xi32, #tpu.memory_space<vmem>>
    %dma_start3A_27 = arith.constant 0 : i32
    %dma_start3A_28 = arith.constant 0 : i32
    %dma_start3A_29 = tpu.memref_slice %arg4[%add3A_20, %dma_start3A_27, %dma_start3A_28] : memref<3584x1x96xi32, #tpu.memory_space<hbm>> -> memref<1x1x96xi32, #tpu.memory_space<hbm>>
    %dma_start3A_30 = tpu.memref_squeeze %dma_start3A_29 : memref<1x1x96xi32, #tpu.memory_space<hbm>> -> memref<1x96xi32, #tpu.memory_space<hbm>>
    %dma_start3A_31 = tpu.memref_slice %arg12[%dma_start3A_22] : memref<3x!tpu.dma_semaphore, #tpu.memory_space<semaphore_mem>> -> memref<1x!tpu.dma_semaphore, #tpu.memory_space<semaphore_mem>>
    %dma_start3A_32 = tpu.memref_squeeze %dma_start3A_31 : memref<1x!tpu.dma_semaphore, #tpu.memory_space<semaphore_mem>> -> memref<!tpu.dma_semaphore, #tpu.memory_space<semaphore_mem>>
    %dma_start3A_33 = arith.constant 0 : i32
    %dma_start3A_34 = arith.constant 0 : i32
    %dma_start3A_35 = tpu.memref_slice %arg8[%dma_start3A_21, %dma_start3A_33, %dma_start3A_34] : memref<3x1x96xi32, #tpu.memory_space<vmem>> -> memref<1x1x96xi32, #tpu.memory_space<vmem>>
    %dma_start3A_36 = tpu.memref_squeeze %dma_start3A_35 : memref<1x1x96xi32, #tpu.memory_space<vmem>> -> memref<1x96xi32, #tpu.memory_space<vmem>>
    %dma_start3A_37 = arith.constant 0 : i32
    %dma_start3A_38 = arith.constant 0 : i32
    %dma_start3A_39 = tpu.memref_slice %arg4[%add3A_20, %dma_start3A_37, %dma_start3A_38] : memref<3584x1x96xi32, #tpu.memory_space<hbm>> -> memref<1x1x96xi32, #tpu.memory_space<hbm>>
    %dma_start3A_40 = tpu.memref_squeeze %dma_start3A_39 : memref<1x1x96xi32, #tpu.memory_space<hbm>> -> memref<1x96xi32, #tpu.memory_space<hbm>>
    tpu.enqueue_dma source(%dma_start3A_40 : memref<1x96xi32, #tpu.memory_space<hbm>>) target(%dma_start3A_36 : memref<1x96xi32, #tpu.memory_space<vmem>>) target_semaphore(%dma_start3A_32 : memref<!tpu.dma_semaphore, #tpu.memory_space<semaphore_mem>>)
    %dma_start3A_41 = arith.constant 1 : i32
    %dma_start3A_42 = arith.constant 1 : i32
    %dma_start3A_43 = arith.constant 0 : i32
    %dma_start3A_44 = arith.constant 0 : i32
    %dma_start3A_45 = tpu.memref_slice %arg9[%dma_start3A_41, %dma_start3A_43, %dma_start3A_44] : memref<3x96x128xf32, #tpu.memory_space<vmem>> -> memref<1x96x128xf32, #tpu.memory_space<vmem>>
    %dma_start3A_46 = tpu.memref_squeeze %dma_start3A_45 : memref<1x96x128xf32, #tpu.memory_space<vmem>> -> memref<96x128xf32, #tpu.memory_space<vmem>>
    %dma_start3A_47 = arith.constant 96 : i32
    %dma_start3A_48 = tpu.memref_slice %arg7[%dma_start3A_47] : memref<10752xi32, #tpu.memory_space<vmem>> -> memref<96xi32, #tpu.memory_space<vmem>>
    %dma_start3A_49 = arith.constant 0 : i32
    %dma_start3A_50 = arith.constant 0 : i32
    %dma_start3A_51 = tpu.memref_slice %arg2[%dma_start3A_49, %dma_start3A_50] : memref<10240x128xf32, #tpu.memory_space<hbm>> -> memref<10240x128xf32, #tpu.memory_space<hbm>>
    %dma_start3A_52 = tpu.memref_slice %arg11[%dma_start3A_42] : memref<3x!tpu.dma_semaphore, #tpu.memory_space<semaphore_mem>> -> memref<1x!tpu.dma_semaphore, #tpu.memory_space<semaphore_mem>>
    %dma_start3A_53 = tpu.memref_squeeze %dma_start3A_52 : memref<1x!tpu.dma_semaphore, #tpu.memory_space<semaphore_mem>> -> memref<!tpu.dma_semaphore, #tpu.memory_space<semaphore_mem>>
    tpu.enqueue_indirect_dma source(%dma_start3A_51 : memref<10240x128xf32, #tpu.memory_space<hbm>>) target(%dma_start3A_46 : memref<96x128xf32, #tpu.memory_space<vmem>>) offsets(%dma_start3A_48 : memref<96xi32, #tpu.memory_space<vmem>>) semaphore(%dma_start3A_53 : memref<!tpu.dma_semaphore, #tpu.memory_space<semaphore_mem>>)
    %add3A_54 = arith.constant 1 : i32
    %add3A_55 = arith.addi %mul3A_2, %add3A_54 : i32
    %dma_start3A_56 = arith.constant 1 : i32
    %dma_start3A_57 = arith.constant 1 : i32
    %dma_start3A_58 = arith.constant 0 : i32
    %dma_start3A_59 = arith.constant 0 : i32
    %dma_start3A_60 = tpu.memref_slice %arg8[%dma_start3A_56, %dma_start3A_58, %dma_start3A_59] : memref<3x1x96xi32, #tpu.memory_space<vmem>> -> memref<1x1x96xi32, #tpu.memory_space<vmem>>
    %dma_start3A_61 = tpu.memref_squeeze %dma_start3A_60 : memref<1x1x96xi32, #tpu.memory_space<vmem>> -> memref<1x96xi32, #tpu.memory_space<vmem>>
    %dma_start3A_62 = arith.constant 0 : i32
    %dma_start3A_63 = arith.constant 0 : i32
    %dma_start3A_64 = tpu.memref_slice %arg4[%add3A_55, %dma_start3A_62, %dma_start3A_63] : memref<3584x1x96xi32, #tpu.memory_space<hbm>> -> memref<1x1x96xi32, #tpu.memory_space<hbm>>
    %dma_start3A_65 = tpu.memref_squeeze %dma_start3A_64 : memref<1x1x96xi32, #tpu.memory_space<hbm>> -> memref<1x96xi32, #tpu.memory_space<hbm>>
    %dma_start3A_66 = tpu.memref_slice %arg12[%dma_start3A_57] : memref<3x!tpu.dma_semaphore, #tpu.memory_space<semaphore_mem>> -> memref<1x!tpu.dma_semaphore, #tpu.memory_space<semaphore_mem>>
    %dma_start3A_67 = tpu.memref_squeeze %dma_start3A_66 : memref<1x!tpu.dma_semaphore, #tpu.memory_space<semaphore_mem>> -> memref<!tpu.dma_semaphore, #tpu.memory_space<semaphore_mem>>
    %dma_start3A_68 = arith.constant 0 : i32
    %dma_start3A_69 = arith.constant 0 : i32
    %dma_start3A_70 = tpu.memref_slice %arg8[%dma_start3A_56, %dma_start3A_68, %dma_start3A_69] : memref<3x1x96xi32, #tpu.memory_space<vmem>> -> memref<1x1x96xi32, #tpu.memory_space<vmem>>
    %dma_start3A_71 = tpu.memref_squeeze %dma_start3A_70 : memref<1x1x96xi32, #tpu.memory_space<vmem>> -> memref<1x96xi32, #tpu.memory_space<vmem>>
    %dma_start3A_72 = arith.constant 0 : i32
    %dma_start3A_73 = arith.constant 0 : i32
    %dma_start3A_74 = tpu.memref_slice %arg4[%add3A_55, %dma_start3A_72, %dma_start3A_73] : memref<3584x1x96xi32, #tpu.memory_space<hbm>> -> memref<1x1x96xi32, #tpu.memory_space<hbm>>
    %dma_start3A_75 = tpu.memref_squeeze %dma_start3A_74 : memref<1x1x96xi32, #tpu.memory_space<hbm>> -> memref<1x96xi32, #tpu.memory_space<hbm>>
    tpu.enqueue_dma source(%dma_start3A_75 : memref<1x96xi32, #tpu.memory_space<hbm>>) target(%dma_start3A_71 : memref<1x96xi32, #tpu.memory_space<vmem>>) target_semaphore(%dma_start3A_67 : memref<!tpu.dma_semaphore, #tpu.memory_space<semaphore_mem>>)
    %scan3A = arith.constant 0 : i32
    %scan3A_76 = arith.constant 112 : i32
    %scan3A_77 = arith.addi %scan3A, %scan3A_76 : i32
    %scan3A_78 = arith.constant 1 : i32
    scf.for %scan3A_98 = %scan3A to %scan3A_77 step %scan3A_78  : i32 {
      %mul3A_99 = arith.constant 1 : i32
      %mul3A_100 = arith.muli %scan3A_98, %mul3A_99 : i32
      %add3A_101 = arith.constant 0 : i32
      %add3A_102 = arith.addi %add3A_101, %mul3A_100 : i32
      %rem3A = arith.constant 3 : i32
      %rem3A_103 = arith.remsi %add3A_102, %rem3A : i32
      %add3A_104 = arith.constant 2 : i32
      %add3A_105 = arith.addi %add3A_102, %add3A_104 : i32
      %rem3A_106 = arith.constant 3 : i32
      %rem3A_107 = arith.remsi %add3A_105, %rem3A_106 : i32
      %mul3A_108 = arith.constant 96 : i32
      %mul3A_109 = arith.muli %add3A_102, %mul3A_108 : i32
      %dma_wait3A_110 = arith.constant 0 : i32
      %dma_wait3A_111 = arith.constant 0 : i32
      %dma_wait3A_112 = tpu.memref_slice %arg9[%rem3A_103, %dma_wait3A_110, %dma_wait3A_111] : memref<3x96x128xf32, #tpu.memory_space<vmem>> -> memref<1x96x128xf32, #tpu.memory_space<vmem>>
      %dma_wait3A_113 = tpu.memref_squeeze %dma_wait3A_112 : memref<1x96x128xf32, #tpu.memory_space<vmem>> -> memref<96x128xf32, #tpu.memory_space<vmem>>
      %dma_wait3A_114 = tpu.memref_slice %arg7[%mul3A_109] : memref<10752xi32, #tpu.memory_space<vmem>> -> memref<96xi32, #tpu.memory_space<vmem>>
      %dma_wait3A_115 = arith.constant 0 : i32
      %dma_wait3A_116 = arith.constant 0 : i32
      %dma_wait3A_117 = tpu.memref_slice %arg2[%dma_wait3A_115, %dma_wait3A_116] : memref<10240x128xf32, #tpu.memory_space<hbm>> -> memref<10240x128xf32, #tpu.memory_space<hbm>>
      %dma_wait3A_118 = tpu.memref_slice %arg11[%rem3A_103] : memref<3x!tpu.dma_semaphore, #tpu.memory_space<semaphore_mem>> -> memref<1x!tpu.dma_semaphore, #tpu.memory_space<semaphore_mem>>
      %dma_wait3A_119 = tpu.memref_squeeze %dma_wait3A_118 : memref<1x!tpu.dma_semaphore, #tpu.memory_space<semaphore_mem>> -> memref<!tpu.dma_semaphore, #tpu.memory_space<semaphore_mem>>
      tpu.wait_indirect_dma semaphore(%dma_wait3A_119 : memref<!tpu.dma_semaphore, #tpu.memory_space<semaphore_mem>>) src(%dma_wait3A_117 : memref<10240x128xf32, #tpu.memory_space<hbm>>) dst(%dma_wait3A_113 : memref<96x128xf32, #tpu.memory_space<vmem>>)
      %add3A_120 = arith.addi %mul3A_2, %add3A_102 : i32
      %dma_wait3A_121 = arith.constant 0 : i32
      %dma_wait3A_122 = arith.constant 0 : i32
      %dma_wait3A_123 = tpu.memref_slice %arg8[%rem3A_103, %dma_wait3A_121, %dma_wait3A_122] : memref<3x1x96xi32, #tpu.memory_space<vmem>> -> memref<1x1x96xi32, #tpu.memory_space<vmem>>
      %dma_wait3A_124 = tpu.memref_squeeze %dma_wait3A_123 : memref<1x1x96xi32, #tpu.memory_space<vmem>> -> memref<1x96xi32, #tpu.memory_space<vmem>>
      %dma_wait3A_125 = arith.constant 0 : i32
      %dma_wait3A_126 = arith.constant 0 : i32
      %dma_wait3A_127 = tpu.memref_slice %arg4[%add3A_120, %dma_wait3A_125, %dma_wait3A_126] : memref<3584x1x96xi32, #tpu.memory_space<hbm>> -> memref<1x1x96xi32, #tpu.memory_space<hbm>>
      %dma_wait3A_128 = tpu.memref_squeeze %dma_wait3A_127 : memref<1x1x96xi32, #tpu.memory_space<hbm>> -> memref<1x96xi32, #tpu.memory_space<hbm>>
      %dma_wait3A_129 = tpu.memref_slice %arg12[%rem3A_103] : memref<3x!tpu.dma_semaphore, #tpu.memory_space<semaphore_mem>> -> memref<1x!tpu.dma_semaphore, #tpu.memory_space<semaphore_mem>>
      %dma_wait3A_130 = tpu.memref_squeeze %dma_wait3A_129 : memref<1x!tpu.dma_semaphore, #tpu.memory_space<semaphore_mem>> -> memref<!tpu.dma_semaphore, #tpu.memory_space<semaphore_mem>>
      %dma_wait3A_131 = arith.constant 0 : i32
      %dma_wait3A_132 = arith.constant 0 : i32
      %dma_wait3A_133 = tpu.memref_slice %arg8[%rem3A_103, %dma_wait3A_131, %dma_wait3A_132] : memref<3x1x96xi32, #tpu.memory_space<vmem>> -> memref<1x1x96xi32, #tpu.memory_space<vmem>>
      %dma_wait3A_134 = tpu.memref_squeeze %dma_wait3A_133 : memref<1x1x96xi32, #tpu.memory_space<vmem>> -> memref<1x96xi32, #tpu.memory_space<vmem>>
      %dma_wait3A_135 = arith.constant 0 : i32
      %dma_wait3A_136 = arith.constant 0 : i32
      %dma_wait3A_137 = tpu.memref_slice %arg4[%add3A_120, %dma_wait3A_135, %dma_wait3A_136] : memref<3584x1x96xi32, #tpu.memory_space<hbm>> -> memref<1x1x96xi32, #tpu.memory_space<hbm>>
      %dma_wait3A_138 = tpu.memref_squeeze %dma_wait3A_137 : memref<1x1x96xi32, #tpu.memory_space<hbm>> -> memref<1x96xi32, #tpu.memory_space<hbm>>
      tpu.wait_dma2 semaphore(%dma_wait3A_130 : memref<!tpu.dma_semaphore, #tpu.memory_space<semaphore_mem>>) src(%dma_wait3A_138 : memref<1x96xi32, #tpu.memory_space<hbm>>) dst(%dma_wait3A_134 : memref<1x96xi32, #tpu.memory_space<vmem>>)
      %dma_start3A_139 = arith.constant 0 : i32
      %dma_start3A_140 = arith.constant 0 : i32
      %dma_start3A_141 = arith.constant 0 : i32
      %dma_start3A_142 = tpu.memref_slice %arg9[%rem3A_103, %dma_start3A_140, %dma_start3A_141] : memref<3x96x128xf32, #tpu.memory_space<vmem>> -> memref<1x96x128xf32, #tpu.memory_space<vmem>>
      %dma_start3A_143 = tpu.memref_squeeze %dma_start3A_142 : memref<1x96x128xf32, #tpu.memory_space<vmem>> -> memref<96x128xf32, #tpu.memory_space<vmem>>
      %dma_start3A_144 = arith.constant 0 : i32
      %dma_start3A_145 = tpu.memref_slice %arg8[%rem3A_103, %dma_start3A_139, %dma_start3A_144] : memref<3x1x96xi32, #tpu.memory_space<vmem>> -> memref<1x1x96xi32, #tpu.memory_space<vmem>>
      %dma_start3A_146 = tpu.memref_squeeze %dma_start3A_145 : memref<1x1x96xi32, #tpu.memory_space<vmem>> -> memref<96xi32, #tpu.memory_space<vmem>>
      %dma_start3A_147 = arith.constant 0 : i32
      %dma_start3A_148 = arith.constant 0 : i32
      %dma_start3A_149 = tpu.memref_slice %arg10[%dma_start3A_147, %dma_start3A_148] : memref<10240x128xf32, #tpu.memory_space<vmem_shared>> -> memref<10240x128xf32, #tpu.memory_space<vmem_shared>>
      %dma_start3A_150 = tpu.memref_slice %arg13[%rem3A_103] : memref<3x!tpu.dma_semaphore, #tpu.memory_space<semaphore_mem>> -> memref<1x!tpu.dma_semaphore, #tpu.memory_space<semaphore_mem>>
      %dma_start3A_151 = tpu.memref_squeeze %dma_start3A_150 : memref<1x!tpu.dma_semaphore, #tpu.memory_space<semaphore_mem>> -> memref<!tpu.dma_semaphore, #tpu.memory_space<semaphore_mem>>
      tpu.enqueue_indirect_dma source(%dma_start3A_143 : memref<96x128xf32, #tpu.memory_space<vmem>>) target(%dma_start3A_149 : memref<10240x128xf32, #tpu.memory_space<vmem_shared>>) offsets(%dma_start3A_146 : memref<96xi32, #tpu.memory_space<vmem>>) semaphore(%dma_start3A_151 : memref<!tpu.dma_semaphore, #tpu.memory_space<semaphore_mem>>) {add = true}
      %ge3A = arith.constant 1 : i32
      %ge3A_152 = arith.cmpi sge, %add3A_102, %ge3A : i32
      %convert_element_type3A = arith.extui %ge3A_152 : i1 to i32
      %cond3A = arith.constant 0 : i32
      %cond3A_153 = arith.cmpi ne, %convert_element_type3A, %cond3A : i32
      scf.if %cond3A_153 {
        %dma_wait3A_160 = arith.constant 0 : i32
        %dma_wait3A_161 = arith.constant 0 : i32
        %dma_wait3A_162 = arith.constant 0 : i32
        %dma_wait3A_163 = tpu.memref_slice %arg9[%rem3A_107, %dma_wait3A_161, %dma_wait3A_162] : memref<3x96x128xf32, #tpu.memory_space<vmem>> -> memref<1x96x128xf32, #tpu.memory_space<vmem>>
        %dma_wait3A_164 = tpu.memref_squeeze %dma_wait3A_163 : memref<1x96x128xf32, #tpu.memory_space<vmem>> -> memref<96x128xf32, #tpu.memory_space<vmem>>
        %dma_wait3A_165 = arith.constant 0 : i32
        %dma_wait3A_166 = tpu.memref_slice %arg8[%rem3A_107, %dma_wait3A_160, %dma_wait3A_165] : memref<3x1x96xi32, #tpu.memory_space<vmem>> -> memref<1x1x96xi32, #tpu.memory_space<vmem>>
        %dma_wait3A_167 = tpu.memref_squeeze %dma_wait3A_166 : memref<1x1x96xi32, #tpu.memory_space<vmem>> -> memref<96xi32, #tpu.memory_space<vmem>>
        %dma_wait3A_168 = arith.constant 0 : i32
        %dma_wait3A_169 = arith.constant 0 : i32
        %dma_wait3A_170 = tpu.memref_slice %arg10[%dma_wait3A_168, %dma_wait3A_169] : memref<10240x128xf32, #tpu.memory_space<vmem_shared>> -> memref<10240x128xf32, #tpu.memory_space<vmem_shared>>
        %dma_wait3A_171 = tpu.memref_slice %arg13[%rem3A_107] : memref<3x!tpu.dma_semaphore, #tpu.memory_space<semaphore_mem>> -> memref<1x!tpu.dma_semaphore, #tpu.memory_space<semaphore_mem>>
        %dma_wait3A_172 = tpu.memref_squeeze %dma_wait3A_171 : memref<1x!tpu.dma_semaphore, #tpu.memory_space<semaphore_mem>> -> memref<!tpu.dma_semaphore, #tpu.memory_space<semaphore_mem>>
        tpu.wait_indirect_dma semaphore(%dma_wait3A_172 : memref<!tpu.dma_semaphore, #tpu.memory_space<semaphore_mem>>) src(%dma_wait3A_164 : memref<96x128xf32, #tpu.memory_space<vmem>>) dst(%dma_wait3A_170 : memref<10240x128xf32, #tpu.memory_space<vmem_shared>>)
      } else {
      }
      %add3A_154 = arith.constant 2 : i32
      %add3A_155 = arith.addi %add3A_102, %add3A_154 : i32
      %lt3A = arith.constant 112 : i32
      %lt3A_156 = arith.cmpi slt, %add3A_155, %lt3A : i32
      %convert_element_type3A_157 = arith.extui %lt3A_156 : i1 to i32
      %cond3A_158 = arith.constant 0 : i32
      %cond3A_159 = arith.cmpi ne, %convert_element_type3A_157, %cond3A_158 : i32
      scf.if %cond3A_159 {
        %mul3A_160 = arith.constant 96 : i32
        %mul3A_161 = arith.muli %add3A_155, %mul3A_160 : i32
        %dma_start3A_162 = arith.constant 0 : i32
        %dma_start3A_163 = arith.constant 0 : i32
        %dma_start3A_164 = tpu.memref_slice %arg9[%rem3A_107, %dma_start3A_162, %dma_start3A_163] : memref<3x96x128xf32, #tpu.memory_space<vmem>> -> memref<1x96x128xf32, #tpu.memory_space<vmem>>
        %dma_start3A_165 = tpu.memref_squeeze %dma_start3A_164 : memref<1x96x128xf32, #tpu.memory_space<vmem>> -> memref<96x128xf32, #tpu.memory_space<vmem>>
        %dma_start3A_166 = tpu.memref_slice %arg7[%mul3A_161] : memref<10752xi32, #tpu.memory_space<vmem>> -> memref<96xi32, #tpu.memory_space<vmem>>
        %dma_start3A_167 = arith.constant 0 : i32
        %dma_start3A_168 = arith.constant 0 : i32
        %dma_start3A_169 = tpu.memref_slice %arg2[%dma_start3A_167, %dma_start3A_168] : memref<10240x128xf32, #tpu.memory_space<hbm>> -> memref<10240x128xf32, #tpu.memory_space<hbm>>
        %dma_start3A_170 = tpu.memref_slice %arg11[%rem3A_107] : memref<3x!tpu.dma_semaphore, #tpu.memory_space<semaphore_mem>> -> memref<1x!tpu.dma_semaphore, #tpu.memory_space<semaphore_mem>>
        %dma_start3A_171 = tpu.memref_squeeze %dma_start3A_170 : memref<1x!tpu.dma_semaphore, #tpu.memory_space<semaphore_mem>> -> memref<!tpu.dma_semaphore, #tpu.memory_space<semaphore_mem>>
        tpu.enqueue_indirect_dma source(%dma_start3A_169 : memref<10240x128xf32, #tpu.memory_space<hbm>>) target(%dma_start3A_165 : memref<96x128xf32, #tpu.memory_space<vmem>>) offsets(%dma_start3A_166 : memref<96xi32, #tpu.memory_space<vmem>>) semaphore(%dma_start3A_171 : memref<!tpu.dma_semaphore, #tpu.memory_space<semaphore_mem>>)
        %add3A_172 = arith.addi %mul3A_2, %add3A_155 : i32
        %dma_start3A_173 = arith.constant 0 : i32
        %dma_start3A_174 = arith.constant 0 : i32
        %dma_start3A_175 = tpu.memref_slice %arg8[%rem3A_107, %dma_start3A_173, %dma_start3A_174] : memref<3x1x96xi32, #tpu.memory_space<vmem>> -> memref<1x1x96xi32, #tpu.memory_space<vmem>>
        %dma_start3A_176 = tpu.memref_squeeze %dma_start3A_175 : memref<1x1x96xi32, #tpu.memory_space<vmem>> -> memref<1x96xi32, #tpu.memory_space<vmem>>
        %dma_start3A_177 = arith.constant 0 : i32
        %dma_start3A_178 = arith.constant 0 : i32
        %dma_start3A_179 = tpu.memref_slice %arg4[%add3A_172, %dma_start3A_177, %dma_start3A_178] : memref<3584x1x96xi32, #tpu.memory_space<hbm>> -> memref<1x1x96xi32, #tpu.memory_space<hbm>>
        %dma_start3A_180 = tpu.memref_squeeze %dma_start3A_179 : memref<1x1x96xi32, #tpu.memory_space<hbm>> -> memref<1x96xi32, #tpu.memory_space<hbm>>
        %dma_start3A_181 = tpu.memref_slice %arg12[%rem3A_107] : memref<3x!tpu.dma_semaphore, #tpu.memory_space<semaphore_mem>> -> memref<1x!tpu.dma_semaphore, #tpu.memory_space<semaphore_mem>>
        %dma_start3A_182 = tpu.memref_squeeze %dma_start3A_181 : memref<1x!tpu.dma_semaphore, #tpu.memory_space<semaphore_mem>> -> memref<!tpu.dma_semaphore, #tpu.memory_space<semaphore_mem>>
        %dma_start3A_183 = arith.constant 0 : i32
        %dma_start3A_184 = arith.constant 0 : i32
        %dma_start3A_185 = tpu.memref_slice %arg8[%rem3A_107, %dma_start3A_183, %dma_start3A_184] : memref<3x1x96xi32, #tpu.memory_space<vmem>> -> memref<1x1x96xi32, #tpu.memory_space<vmem>>
        %dma_start3A_186 = tpu.memref_squeeze %dma_start3A_185 : memref<1x1x96xi32, #tpu.memory_space<vmem>> -> memref<1x96xi32, #tpu.memory_space<vmem>>
        %dma_start3A_187 = arith.constant 0 : i32
        %dma_start3A_188 = arith.constant 0 : i32
        %dma_start3A_189 = tpu.memref_slice %arg4[%add3A_172, %dma_start3A_187, %dma_start3A_188] : memref<3584x1x96xi32, #tpu.memory_space<hbm>> -> memref<1x1x96xi32, #tpu.memory_space<hbm>>
        %dma_start3A_190 = tpu.memref_squeeze %dma_start3A_189 : memref<1x1x96xi32, #tpu.memory_space<hbm>> -> memref<1x96xi32, #tpu.memory_space<hbm>>
        tpu.enqueue_dma source(%dma_start3A_190 : memref<1x96xi32, #tpu.memory_space<hbm>>) target(%dma_start3A_186 : memref<1x96xi32, #tpu.memory_space<vmem>>) target_semaphore(%dma_start3A_182 : memref<!tpu.dma_semaphore, #tpu.memory_space<semaphore_mem>>)
      } else {
      }
    }
    %scan3A_79 = arith.constant 112 : i32
    %dma_wait3A = arith.constant 0 : i32
    %dma_wait3A_80 = arith.constant 0 : i32
    %dma_wait3A_81 = arith.constant 0 : i32
    %dma_wait3A_82 = arith.constant 0 : i32
    %dma_wait3A_83 = arith.constant 0 : i32
    %dma_wait3A_84 = arith.constant 0 : i32
    %dma_wait3A_85 = tpu.memref_slice %arg9[%dma_wait3A, %dma_wait3A_83, %dma_wait3A_84] : memref<3x96x128xf32, #tpu.memory_space<vmem>> -> memref<1x96x128xf32, #tpu.memory_space<vmem>>
    %dma_wait3A_86 = tpu.memref_squeeze %dma_wait3A_85 : memref<1x96x128xf32, #tpu.memory_space<vmem>> -> memref<96x128xf32, #tpu.memory_space<vmem>>
    %dma_wait3A_87 = arith.constant 0 : i32
    %dma_wait3A_88 = tpu.memref_slice %arg8[%dma_wait3A_80, %dma_wait3A_81, %dma_wait3A_87] : memref<3x1x96xi32, #tpu.memory_space<vmem>> -> memref<1x1x96xi32, #tpu.memory_space<vmem>>
    %dma_wait3A_89 = tpu.memref_squeeze %dma_wait3A_88 : memref<1x1x96xi32, #tpu.memory_space<vmem>> -> memref<96xi32, #tpu.memory_space<vmem>>
    %dma_wait3A_90 = arith.constant 0 : i32
    %dma_wait3A_91 = arith.constant 0 : i32
    %dma_wait3A_92 = tpu.memref_slice %arg10[%dma_wait3A_90, %dma_wait3A_91] : memref<10240x128xf32, #tpu.memory_space<vmem_shared>> -> memref<10240x128xf32, #tpu.memory_space<vmem_shared>>
    %dma_wait3A_93 = tpu.memref_slice %arg13[%dma_wait3A_82] : memref<3x!tpu.dma_semaphore, #tpu.memory_space<semaphore_mem>> -> memref<1x!tpu.dma_semaphore, #tpu.memory_space<semaphore_mem>>
    %dma_wait3A_94 = tpu.memref_squeeze %dma_wait3A_93 : memref<1x!tpu.dma_semaphore, #tpu.memory_space<semaphore_mem>> -> memref<!tpu.dma_semaphore, #tpu.memory_space<semaphore_mem>>
    tpu.wait_indirect_dma semaphore(%dma_wait3A_94 : memref<!tpu.dma_semaphore, #tpu.memory_space<semaphore_mem>>) src(%dma_wait3A_86 : memref<96x128xf32, #tpu.memory_space<vmem>>) dst(%dma_wait3A_92 : memref<10240x128xf32, #tpu.memory_space<vmem_shared>>)
    %barrier3A_95 = arith.constant 0 : index
    tpu.barrier barrier_id(%barrier3A_95)
    %mul3A_96 = arith.constant 640 : i32
    %mul3A_97 = arith.muli %arg1, %mul3A_96 : i32
    "tpu.region"() ({
      %run_scoped3A = tpu.sem_alloc : memref<!tpu.dma_semaphore, #tpu.memory_space<semaphore_mem>>
      %dma_start3A_98 = arith.constant 0 : i32
      %dma_start3A_99 = tpu.memref_slice %arg6[%arg0, %mul3A_97, %dma_start3A_98] : memref<2x10240x128xf32, #tpu.memory_space<hbm>> -> memref<1x640x128xf32, #tpu.memory_space<hbm>>
      %dma_start3A_100 = tpu.memref_squeeze %dma_start3A_99 : memref<1x640x128xf32, #tpu.memory_space<hbm>> -> memref<640x128xf32, #tpu.memory_space<hbm>>
      %dma_start3A_101 = arith.constant 0 : i32
      %dma_start3A_102 = tpu.memref_slice %arg10[%mul3A_97, %dma_start3A_101] : memref<10240x128xf32, #tpu.memory_space<vmem_shared>> -> memref<640x128xf32, #tpu.memory_space<vmem_shared>>
      tpu.enqueue_dma source(%dma_start3A_102 : memref<640x128xf32, #tpu.memory_space<vmem_shared>>) target(%dma_start3A_100 : memref<640x128xf32, #tpu.memory_space<hbm>>) target_semaphore(%run_scoped3A : memref<!tpu.dma_semaphore, #tpu.memory_space<semaphore_mem>>)
      %dma_wait3A_103 = arith.constant 0 : i32
      %dma_wait3A_104 = tpu.memref_slice %arg6[%arg0, %mul3A_97, %dma_wait3A_103] : memref<2x10240x128xf32, #tpu.memory_space<hbm>> -> memref<1x640x128xf32, #tpu.memory_space<hbm>>
      %dma_wait3A_105 = tpu.memref_squeeze %dma_wait3A_104 : memref<1x640x128xf32, #tpu.memory_space<hbm>> -> memref<640x128xf32, #tpu.memory_space<hbm>>
      %dma_wait3A_106 = arith.constant 0 : i32
      %dma_wait3A_107 = tpu.memref_slice %arg10[%mul3A_97, %dma_wait3A_106] : memref<10240x128xf32, #tpu.memory_space<vmem_shared>> -> memref<640x128xf32, #tpu.memory_space<vmem_shared>>
      tpu.wait_dma2 semaphore(%run_scoped3A : memref<!tpu.dma_semaphore, #tpu.memory_space<semaphore_mem>>) src(%dma_wait3A_107 : memref<640x128xf32, #tpu.memory_space<vmem_shared>>) dst(%dma_wait3A_105 : memref<640x128xf32, #tpu.memory_space<hbm>>)
      tpu.yield
    }) : () -> ()
    return
  }
}

#map = affine_map<(d0, d1) -> (0, 0)>
#map1 = affine_map<(d0, d1) -> (0)>
#map2 = affine_map<(d0, d1) -> (0, 0, 0)>
module attributes {stable_mosaic.version = 14 : i64} {
  func.func @seg_sum(%arg0: i32, %arg1: i32, %arg2: memref<10240x128xf32, #tpu.memory_space<hbm>>, %arg3: memref<344064xi32, #tpu.memory_space<hbm>>, %arg4: memref<3584x1x96xi32, #tpu.memory_space<hbm>>, %arg5: memref<640x128xf32, #tpu.memory_space<hbm>>, %arg6: memref<2x10240x128xf32, #tpu.memory_space<hbm>>, %arg7: memref<10752xi32, #tpu.memory_space<vmem>>, %arg8: memref<3x1x96xi32, #tpu.memory_space<vmem>>, %arg9: memref<3x96x128xf32, #tpu.memory_space<vmem>>, %arg10: memref<10240x128xf32, #tpu.memory_space<vmem_shared>>, %arg11: memref<3x!tpu.dma_semaphore, #tpu.memory_space<semaphore_mem>>, %arg12: memref<3x!tpu.dma_semaphore, #tpu.memory_space<semaphore_mem>>, %arg13: memref<3x!tpu.dma_semaphore, #tpu.memory_space<semaphore_mem>>) attributes {dimension_semantics = [#tpu.dimension_semantics<core_parallel>, #tpu.dimension_semantics<subcore_parallel>], iteration_bounds = array<i64: 2, 16>, scalar_prefetch = 0 : i64, scratch_operands = 7 : i64, tpu.core_type = #tpu.core_type<sc_vector_subcore>, window_params = [{transform_indices = #map}, {transform_indices = #map1}, {transform_indices = #map2}, {transform_indices = #map}, {transform_indices = #map2}]} {
    %mul3A = arith.constant 2 : i32
    %mul3A_0 = arith.muli %arg1, %mul3A : i32
    %add3A = arith.addi %mul3A_0, %arg0 : i32
    %mul3A_1 = arith.constant 112 : i32
    %mul3A_2 = arith.muli %add3A, %mul3A_1 : i32
    %mul3A_3 = arith.constant 640 : i32
    %mul3A_4 = arith.muli %arg1, %mul3A_3 : i32
    "tpu.region"() ({
      %run_scoped3A = tpu.sem_alloc : memref<!tpu.dma_semaphore, #tpu.memory_space<semaphore_mem>>
      %dma_start3A_98 = arith.constant 0 : i32
      %dma_start3A_99 = tpu.memref_slice %arg10[%mul3A_4, %dma_start3A_98] : memref<10240x128xf32, #tpu.memory_space<vmem_shared>> -> memref<640x128xf32, #tpu.memory_space<vmem_shared>>
      tpu.enqueue_dma source(%arg5 : memref<640x128xf32, #tpu.memory_space<hbm>>) target(%dma_start3A_99 : memref<640x128xf32, #tpu.memory_space<vmem_shared>>) target_semaphore(%run_scoped3A : memref<!tpu.dma_semaphore, #tpu.memory_space<semaphore_mem>>)
      %dma_wait3A_100 = arith.constant 0 : i32
      %dma_wait3A_101 = tpu.memref_slice %arg10[%mul3A_4, %dma_wait3A_100] : memref<10240x128xf32, #tpu.memory_space<vmem_shared>> -> memref<640x128xf32, #tpu.memory_space<vmem_shared>>
      tpu.wait_dma2 semaphore(%run_scoped3A : memref<!tpu.dma_semaphore, #tpu.memory_space<semaphore_mem>>) src(%arg5 : memref<640x128xf32, #tpu.memory_space<hbm>>) dst(%dma_wait3A_101 : memref<640x128xf32, #tpu.memory_space<vmem_shared>>)
      tpu.yield
    }) : () -> ()
    %mul3A_5 = arith.constant 96 : i32
    %mul3A_6 = arith.muli %mul3A_2, %mul3A_5 : i32
    "tpu.region"() ({
      %run_scoped3A = tpu.sem_alloc : memref<!tpu.dma_semaphore, #tpu.memory_space<semaphore_mem>>
      %dma_start3A_98 = tpu.memref_slice %arg3[%mul3A_6] : memref<344064xi32, #tpu.memory_space<hbm>> -> memref<10752xi32, #tpu.memory_space<hbm>>
      %dma_start3A_99 = tpu.memref_slice %arg3[%mul3A_6] : memref<344064xi32, #tpu.memory_space<hbm>> -> memref<10752xi32, #tpu.memory_space<hbm>>
      tpu.enqueue_dma source(%dma_start3A_99 : memref<10752xi32, #tpu.memory_space<hbm>>) target(%arg7 : memref<10752xi32, #tpu.memory_space<vmem>>) target_semaphore(%run_scoped3A : memref<!tpu.dma_semaphore, #tpu.memory_space<semaphore_mem>>)
      %dma_wait3A_100 = tpu.memref_slice %arg3[%mul3A_6] : memref<344064xi32, #tpu.memory_space<hbm>> -> memref<10752xi32, #tpu.memory_space<hbm>>
      %dma_wait3A_101 = tpu.memref_slice %arg3[%mul3A_6] : memref<344064xi32, #tpu.memory_space<hbm>> -> memref<10752xi32, #tpu.memory_space<hbm>>
      tpu.wait_dma2 semaphore(%run_scoped3A : memref<!tpu.dma_semaphore, #tpu.memory_space<semaphore_mem>>) src(%dma_wait3A_101 : memref<10752xi32, #tpu.memory_space<hbm>>) dst(%arg7 : memref<10752xi32, #tpu.memory_space<vmem>>)
      tpu.yield
    }) : () -> ()
    %barrier3A = arith.constant 0 : index
    tpu.barrier barrier_id(%barrier3A)
    %dma_start3A = arith.constant 0 : i32
    %dma_start3A_7 = arith.constant 0 : i32
    %dma_start3A_8 = arith.constant 0 : i32
    %dma_start3A_9 = arith.constant 0 : i32
    %dma_start3A_10 = tpu.memref_slice %arg9[%dma_start3A, %dma_start3A_8, %dma_start3A_9] : memref<3x96x128xf32, #tpu.memory_space<vmem>> -> memref<1x96x128xf32, #tpu.memory_space<vmem>>
    %dma_start3A_11 = tpu.memref_squeeze %dma_start3A_10 : memref<1x96x128xf32, #tpu.memory_space<vmem>> -> memref<96x128xf32, #tpu.memory_space<vmem>>
    %dma_start3A_12 = arith.constant 0 : i32
    %dma_start3A_13 = tpu.memref_slice %arg7[%dma_start3A_12] : memref<10752xi32, #tpu.memory_space<vmem>> -> memref<96xi32, #tpu.memory_space<vmem>>
    %dma_start3A_14 = arith.constant 0 : i32
    %dma_start3A_15 = arith.constant 0 : i32
    %dma_start3A_16 = tpu.memref_slice %arg2[%dma_start3A_14, %dma_start3A_15] : memref<10240x128xf32, #tpu.memory_space<hbm>> -> memref<10240x128xf32, #tpu.memory_space<hbm>>
    %dma_start3A_17 = tpu.memref_slice %arg11[%dma_start3A_7] : memref<3x!tpu.dma_semaphore, #tpu.memory_space<semaphore_mem>> -> memref<1x!tpu.dma_semaphore, #tpu.memory_space<semaphore_mem>>
    %dma_start3A_18 = tpu.memref_squeeze %dma_start3A_17 : memref<1x!tpu.dma_semaphore, #tpu.memory_space<semaphore_mem>> -> memref<!tpu.dma_semaphore, #tpu.memory_space<semaphore_mem>>
    tpu.enqueue_indirect_dma source(%dma_start3A_16 : memref<10240x128xf32, #tpu.memory_space<hbm>>) target(%dma_start3A_11 : memref<96x128xf32, #tpu.memory_space<vmem>>) offsets(%dma_start3A_13 : memref<96xi32, #tpu.memory_space<vmem>>) semaphore(%dma_start3A_18 : memref<!tpu.dma_semaphore, #tpu.memory_space<semaphore_mem>>)
    %add3A_19 = arith.constant 0 : i32
    %add3A_20 = arith.addi %mul3A_2, %add3A_19 : i32
    %dma_start3A_21 = arith.constant 0 : i32
    %dma_start3A_22 = arith.constant 0 : i32
    %dma_start3A_23 = arith.constant 0 : i32
    %dma_start3A_24 = arith.constant 0 : i32
    %dma_start3A_25 = tpu.memref_slice %arg8[%dma_start3A_21, %dma_start3A_23, %dma_start3A_24] : memref<3x1x96xi32, #tpu.memory_space<vmem>> -> memref<1x1x96xi32, #tpu.memory_space<vmem>>
    %dma_start3A_26 = tpu.memref_squeeze %dma_start3A_25 : memref<1x1x96xi32, #tpu.memory_space<vmem>> -> memref<1x96xi32, #tpu.memory_space<vmem>>
    %dma_start3A_27 = arith.constant 0 : i32
    %dma_start3A_28 = arith.constant 0 : i32
    %dma_start3A_29 = tpu.memref_slice %arg4[%add3A_20, %dma_start3A_27, %dma_start3A_28] : memref<3584x1x96xi32, #tpu.memory_space<hbm>> -> memref<1x1x96xi32, #tpu.memory_space<hbm>>
    %dma_start3A_30 = tpu.memref_squeeze %dma_start3A_29 : memref<1x1x96xi32, #tpu.memory_space<hbm>> -> memref<1x96xi32, #tpu.memory_space<hbm>>
    %dma_start3A_31 = tpu.memref_slice %arg12[%dma_start3A_22] : memref<3x!tpu.dma_semaphore, #tpu.memory_space<semaphore_mem>> -> memref<1x!tpu.dma_semaphore, #tpu.memory_space<semaphore_mem>>
    %dma_start3A_32 = tpu.memref_squeeze %dma_start3A_31 : memref<1x!tpu.dma_semaphore, #tpu.memory_space<semaphore_mem>> -> memref<!tpu.dma_semaphore, #tpu.memory_space<semaphore_mem>>
    %dma_start3A_33 = arith.constant 0 : i32
    %dma_start3A_34 = arith.constant 0 : i32
    %dma_start3A_35 = tpu.memref_slice %arg8[%dma_start3A_21, %dma_start3A_33, %dma_start3A_34] : memref<3x1x96xi32, #tpu.memory_space<vmem>> -> memref<1x1x96xi32, #tpu.memory_space<vmem>>
    %dma_start3A_36 = tpu.memref_squeeze %dma_start3A_35 : memref<1x1x96xi32, #tpu.memory_space<vmem>> -> memref<1x96xi32, #tpu.memory_space<vmem>>
    %dma_start3A_37 = arith.constant 0 : i32
    %dma_start3A_38 = arith.constant 0 : i32
    %dma_start3A_39 = tpu.memref_slice %arg4[%add3A_20, %dma_start3A_37, %dma_start3A_38] : memref<3584x1x96xi32, #tpu.memory_space<hbm>> -> memref<1x1x96xi32, #tpu.memory_space<hbm>>
    %dma_start3A_40 = tpu.memref_squeeze %dma_start3A_39 : memref<1x1x96xi32, #tpu.memory_space<hbm>> -> memref<1x96xi32, #tpu.memory_space<hbm>>
    tpu.enqueue_dma source(%dma_start3A_40 : memref<1x96xi32, #tpu.memory_space<hbm>>) target(%dma_start3A_36 : memref<1x96xi32, #tpu.memory_space<vmem>>) target_semaphore(%dma_start3A_32 : memref<!tpu.dma_semaphore, #tpu.memory_space<semaphore_mem>>)
    %dma_start3A_41 = arith.constant 1 : i32
    %dma_start3A_42 = arith.constant 1 : i32
    %dma_start3A_43 = arith.constant 0 : i32
    %dma_start3A_44 = arith.constant 0 : i32
    %dma_start3A_45 = tpu.memref_slice %arg9[%dma_start3A_41, %dma_start3A_43, %dma_start3A_44] : memref<3x96x128xf32, #tpu.memory_space<vmem>> -> memref<1x96x128xf32, #tpu.memory_space<vmem>>
    %dma_start3A_46 = tpu.memref_squeeze %dma_start3A_45 : memref<1x96x128xf32, #tpu.memory_space<vmem>> -> memref<96x128xf32, #tpu.memory_space<vmem>>
    %dma_start3A_47 = arith.constant 96 : i32
    %dma_start3A_48 = tpu.memref_slice %arg7[%dma_start3A_47] : memref<10752xi32, #tpu.memory_space<vmem>> -> memref<96xi32, #tpu.memory_space<vmem>>
    %dma_start3A_49 = arith.constant 0 : i32
    %dma_start3A_50 = arith.constant 0 : i32
    %dma_start3A_51 = tpu.memref_slice %arg2[%dma_start3A_49, %dma_start3A_50] : memref<10240x128xf32, #tpu.memory_space<hbm>> -> memref<10240x128xf32, #tpu.memory_space<hbm>>
    %dma_start3A_52 = tpu.memref_slice %arg11[%dma_start3A_42] : memref<3x!tpu.dma_semaphore, #tpu.memory_space<semaphore_mem>> -> memref<1x!tpu.dma_semaphore, #tpu.memory_space<semaphore_mem>>
    %dma_start3A_53 = tpu.memref_squeeze %dma_start3A_52 : memref<1x!tpu.dma_semaphore, #tpu.memory_space<semaphore_mem>> -> memref<!tpu.dma_semaphore, #tpu.memory_space<semaphore_mem>>
    tpu.enqueue_indirect_dma source(%dma_start3A_51 : memref<10240x128xf32, #tpu.memory_space<hbm>>) target(%dma_start3A_46 : memref<96x128xf32, #tpu.memory_space<vmem>>) offsets(%dma_start3A_48 : memref<96xi32, #tpu.memory_space<vmem>>) semaphore(%dma_start3A_53 : memref<!tpu.dma_semaphore, #tpu.memory_space<semaphore_mem>>)
    %add3A_54 = arith.constant 1 : i32
    %add3A_55 = arith.addi %mul3A_2, %add3A_54 : i32
    %dma_start3A_56 = arith.constant 1 : i32
    %dma_start3A_57 = arith.constant 1 : i32
    %dma_start3A_58 = arith.constant 0 : i32
    %dma_start3A_59 = arith.constant 0 : i32
    %dma_start3A_60 = tpu.memref_slice %arg8[%dma_start3A_56, %dma_start3A_58, %dma_start3A_59] : memref<3x1x96xi32, #tpu.memory_space<vmem>> -> memref<1x1x96xi32, #tpu.memory_space<vmem>>
    %dma_start3A_61 = tpu.memref_squeeze %dma_start3A_60 : memref<1x1x96xi32, #tpu.memory_space<vmem>> -> memref<1x96xi32, #tpu.memory_space<vmem>>
    %dma_start3A_62 = arith.constant 0 : i32
    %dma_start3A_63 = arith.constant 0 : i32
    %dma_start3A_64 = tpu.memref_slice %arg4[%add3A_55, %dma_start3A_62, %dma_start3A_63] : memref<3584x1x96xi32, #tpu.memory_space<hbm>> -> memref<1x1x96xi32, #tpu.memory_space<hbm>>
    %dma_start3A_65 = tpu.memref_squeeze %dma_start3A_64 : memref<1x1x96xi32, #tpu.memory_space<hbm>> -> memref<1x96xi32, #tpu.memory_space<hbm>>
    %dma_start3A_66 = tpu.memref_slice %arg12[%dma_start3A_57] : memref<3x!tpu.dma_semaphore, #tpu.memory_space<semaphore_mem>> -> memref<1x!tpu.dma_semaphore, #tpu.memory_space<semaphore_mem>>
    %dma_start3A_67 = tpu.memref_squeeze %dma_start3A_66 : memref<1x!tpu.dma_semaphore, #tpu.memory_space<semaphore_mem>> -> memref<!tpu.dma_semaphore, #tpu.memory_space<semaphore_mem>>
    %dma_start3A_68 = arith.constant 0 : i32
    %dma_start3A_69 = arith.constant 0 : i32
    %dma_start3A_70 = tpu.memref_slice %arg8[%dma_start3A_56, %dma_start3A_68, %dma_start3A_69] : memref<3x1x96xi32, #tpu.memory_space<vmem>> -> memref<1x1x96xi32, #tpu.memory_space<vmem>>
    %dma_start3A_71 = tpu.memref_squeeze %dma_start3A_70 : memref<1x1x96xi32, #tpu.memory_space<vmem>> -> memref<1x96xi32, #tpu.memory_space<vmem>>
    %dma_start3A_72 = arith.constant 0 : i32
    %dma_start3A_73 = arith.constant 0 : i32
    %dma_start3A_74 = tpu.memref_slice %arg4[%add3A_55, %dma_start3A_72, %dma_start3A_73] : memref<3584x1x96xi32, #tpu.memory_space<hbm>> -> memref<1x1x96xi32, #tpu.memory_space<hbm>>
    %dma_start3A_75 = tpu.memref_squeeze %dma_start3A_74 : memref<1x1x96xi32, #tpu.memory_space<hbm>> -> memref<1x96xi32, #tpu.memory_space<hbm>>
    tpu.enqueue_dma source(%dma_start3A_75 : memref<1x96xi32, #tpu.memory_space<hbm>>) target(%dma_start3A_71 : memref<1x96xi32, #tpu.memory_space<vmem>>) target_semaphore(%dma_start3A_67 : memref<!tpu.dma_semaphore, #tpu.memory_space<semaphore_mem>>)
    %scan3A = arith.constant 0 : i32
    %scan3A_76 = arith.constant 112 : i32
    %scan3A_77 = arith.addi %scan3A, %scan3A_76 : i32
    %scan3A_78 = arith.constant 1 : i32
    scf.for %scan3A_98 = %scan3A to %scan3A_77 step %scan3A_78  : i32 {
      %mul3A_99 = arith.constant 1 : i32
      %mul3A_100 = arith.muli %scan3A_98, %mul3A_99 : i32
      %add3A_101 = arith.constant 0 : i32
      %add3A_102 = arith.addi %add3A_101, %mul3A_100 : i32
      %rem3A = arith.constant 3 : i32
      %rem3A_103 = arith.remsi %add3A_102, %rem3A : i32
      %add3A_104 = arith.constant 2 : i32
      %add3A_105 = arith.addi %add3A_102, %add3A_104 : i32
      %rem3A_106 = arith.constant 3 : i32
      %rem3A_107 = arith.remsi %add3A_105, %rem3A_106 : i32
      %mul3A_108 = arith.constant 96 : i32
      %mul3A_109 = arith.muli %add3A_102, %mul3A_108 : i32
      %dma_wait3A_110 = arith.constant 0 : i32
      %dma_wait3A_111 = arith.constant 0 : i32
      %dma_wait3A_112 = tpu.memref_slice %arg9[%rem3A_103, %dma_wait3A_110, %dma_wait3A_111] : memref<3x96x128xf32, #tpu.memory_space<vmem>> -> memref<1x96x128xf32, #tpu.memory_space<vmem>>
      %dma_wait3A_113 = tpu.memref_squeeze %dma_wait3A_112 : memref<1x96x128xf32, #tpu.memory_space<vmem>> -> memref<96x128xf32, #tpu.memory_space<vmem>>
      %dma_wait3A_114 = tpu.memref_slice %arg7[%mul3A_109] : memref<10752xi32, #tpu.memory_space<vmem>> -> memref<96xi32, #tpu.memory_space<vmem>>
      %dma_wait3A_115 = arith.constant 0 : i32
      %dma_wait3A_116 = arith.constant 0 : i32
      %dma_wait3A_117 = tpu.memref_slice %arg2[%dma_wait3A_115, %dma_wait3A_116] : memref<10240x128xf32, #tpu.memory_space<hbm>> -> memref<10240x128xf32, #tpu.memory_space<hbm>>
      %dma_wait3A_118 = tpu.memref_slice %arg11[%rem3A_103] : memref<3x!tpu.dma_semaphore, #tpu.memory_space<semaphore_mem>> -> memref<1x!tpu.dma_semaphore, #tpu.memory_space<semaphore_mem>>
      %dma_wait3A_119 = tpu.memref_squeeze %dma_wait3A_118 : memref<1x!tpu.dma_semaphore, #tpu.memory_space<semaphore_mem>> -> memref<!tpu.dma_semaphore, #tpu.memory_space<semaphore_mem>>
      tpu.wait_indirect_dma semaphore(%dma_wait3A_119 : memref<!tpu.dma_semaphore, #tpu.memory_space<semaphore_mem>>) src(%dma_wait3A_117 : memref<10240x128xf32, #tpu.memory_space<hbm>>) dst(%dma_wait3A_113 : memref<96x128xf32, #tpu.memory_space<vmem>>)
      %add3A_120 = arith.addi %mul3A_2, %add3A_102 : i32
      %dma_wait3A_121 = arith.constant 0 : i32
      %dma_wait3A_122 = arith.constant 0 : i32
      %dma_wait3A_123 = tpu.memref_slice %arg8[%rem3A_103, %dma_wait3A_121, %dma_wait3A_122] : memref<3x1x96xi32, #tpu.memory_space<vmem>> -> memref<1x1x96xi32, #tpu.memory_space<vmem>>
      %dma_wait3A_124 = tpu.memref_squeeze %dma_wait3A_123 : memref<1x1x96xi32, #tpu.memory_space<vmem>> -> memref<1x96xi32, #tpu.memory_space<vmem>>
      %dma_wait3A_125 = arith.constant 0 : i32
      %dma_wait3A_126 = arith.constant 0 : i32
      %dma_wait3A_127 = tpu.memref_slice %arg4[%add3A_120, %dma_wait3A_125, %dma_wait3A_126] : memref<3584x1x96xi32, #tpu.memory_space<hbm>> -> memref<1x1x96xi32, #tpu.memory_space<hbm>>
      %dma_wait3A_128 = tpu.memref_squeeze %dma_wait3A_127 : memref<1x1x96xi32, #tpu.memory_space<hbm>> -> memref<1x96xi32, #tpu.memory_space<hbm>>
      %dma_wait3A_129 = tpu.memref_slice %arg12[%rem3A_103] : memref<3x!tpu.dma_semaphore, #tpu.memory_space<semaphore_mem>> -> memref<1x!tpu.dma_semaphore, #tpu.memory_space<semaphore_mem>>
      %dma_wait3A_130 = tpu.memref_squeeze %dma_wait3A_129 : memref<1x!tpu.dma_semaphore, #tpu.memory_space<semaphore_mem>> -> memref<!tpu.dma_semaphore, #tpu.memory_space<semaphore_mem>>
      %dma_wait3A_131 = arith.constant 0 : i32
      %dma_wait3A_132 = arith.constant 0 : i32
      %dma_wait3A_133 = tpu.memref_slice %arg8[%rem3A_103, %dma_wait3A_131, %dma_wait3A_132] : memref<3x1x96xi32, #tpu.memory_space<vmem>> -> memref<1x1x96xi32, #tpu.memory_space<vmem>>
      %dma_wait3A_134 = tpu.memref_squeeze %dma_wait3A_133 : memref<1x1x96xi32, #tpu.memory_space<vmem>> -> memref<1x96xi32, #tpu.memory_space<vmem>>
      %dma_wait3A_135 = arith.constant 0 : i32
      %dma_wait3A_136 = arith.constant 0 : i32
      %dma_wait3A_137 = tpu.memref_slice %arg4[%add3A_120, %dma_wait3A_135, %dma_wait3A_136] : memref<3584x1x96xi32, #tpu.memory_space<hbm>> -> memref<1x1x96xi32, #tpu.memory_space<hbm>>
      %dma_wait3A_138 = tpu.memref_squeeze %dma_wait3A_137 : memref<1x1x96xi32, #tpu.memory_space<hbm>> -> memref<1x96xi32, #tpu.memory_space<hbm>>
      tpu.wait_dma2 semaphore(%dma_wait3A_130 : memref<!tpu.dma_semaphore, #tpu.memory_space<semaphore_mem>>) src(%dma_wait3A_138 : memref<1x96xi32, #tpu.memory_space<hbm>>) dst(%dma_wait3A_134 : memref<1x96xi32, #tpu.memory_space<vmem>>)
      %dma_start3A_139 = arith.constant 0 : i32
      %dma_start3A_140 = arith.constant 0 : i32
      %dma_start3A_141 = arith.constant 0 : i32
      %dma_start3A_142 = tpu.memref_slice %arg9[%rem3A_103, %dma_start3A_140, %dma_start3A_141] : memref<3x96x128xf32, #tpu.memory_space<vmem>> -> memref<1x96x128xf32, #tpu.memory_space<vmem>>
      %dma_start3A_143 = tpu.memref_squeeze %dma_start3A_142 : memref<1x96x128xf32, #tpu.memory_space<vmem>> -> memref<96x128xf32, #tpu.memory_space<vmem>>
      %dma_start3A_144 = arith.constant 0 : i32
      %dma_start3A_145 = tpu.memref_slice %arg8[%rem3A_103, %dma_start3A_139, %dma_start3A_144] : memref<3x1x96xi32, #tpu.memory_space<vmem>> -> memref<1x1x96xi32, #tpu.memory_space<vmem>>
      %dma_start3A_146 = tpu.memref_squeeze %dma_start3A_145 : memref<1x1x96xi32, #tpu.memory_space<vmem>> -> memref<96xi32, #tpu.memory_space<vmem>>
      %dma_start3A_147 = arith.constant 0 : i32
      %dma_start3A_148 = arith.constant 0 : i32
      %dma_start3A_149 = tpu.memref_slice %arg10[%dma_start3A_147, %dma_start3A_148] : memref<10240x128xf32, #tpu.memory_space<vmem_shared>> -> memref<10240x128xf32, #tpu.memory_space<vmem_shared>>
      %dma_start3A_150 = tpu.memref_slice %arg13[%rem3A_103] : memref<3x!tpu.dma_semaphore, #tpu.memory_space<semaphore_mem>> -> memref<1x!tpu.dma_semaphore, #tpu.memory_space<semaphore_mem>>
      %dma_start3A_151 = tpu.memref_squeeze %dma_start3A_150 : memref<1x!tpu.dma_semaphore, #tpu.memory_space<semaphore_mem>> -> memref<!tpu.dma_semaphore, #tpu.memory_space<semaphore_mem>>
      tpu.enqueue_indirect_dma source(%dma_start3A_143 : memref<96x128xf32, #tpu.memory_space<vmem>>) target(%dma_start3A_149 : memref<10240x128xf32, #tpu.memory_space<vmem_shared>>) offsets(%dma_start3A_146 : memref<96xi32, #tpu.memory_space<vmem>>) semaphore(%dma_start3A_151 : memref<!tpu.dma_semaphore, #tpu.memory_space<semaphore_mem>>) {add = true}
      %ge3A = arith.constant 1 : i32
      %ge3A_152 = arith.cmpi sge, %add3A_102, %ge3A : i32
      %convert_element_type3A = arith.extui %ge3A_152 : i1 to i32
      %cond3A = arith.constant 0 : i32
      %cond3A_153 = arith.cmpi ne, %convert_element_type3A, %cond3A : i32
      scf.if %cond3A_153 {
        %dma_wait3A_160 = arith.constant 0 : i32
        %dma_wait3A_161 = arith.constant 0 : i32
        %dma_wait3A_162 = arith.constant 0 : i32
        %dma_wait3A_163 = tpu.memref_slice %arg9[%rem3A_107, %dma_wait3A_161, %dma_wait3A_162] : memref<3x96x128xf32, #tpu.memory_space<vmem>> -> memref<1x96x128xf32, #tpu.memory_space<vmem>>
        %dma_wait3A_164 = tpu.memref_squeeze %dma_wait3A_163 : memref<1x96x128xf32, #tpu.memory_space<vmem>> -> memref<96x128xf32, #tpu.memory_space<vmem>>
        %dma_wait3A_165 = arith.constant 0 : i32
        %dma_wait3A_166 = tpu.memref_slice %arg8[%rem3A_107, %dma_wait3A_160, %dma_wait3A_165] : memref<3x1x96xi32, #tpu.memory_space<vmem>> -> memref<1x1x96xi32, #tpu.memory_space<vmem>>
        %dma_wait3A_167 = tpu.memref_squeeze %dma_wait3A_166 : memref<1x1x96xi32, #tpu.memory_space<vmem>> -> memref<96xi32, #tpu.memory_space<vmem>>
        %dma_wait3A_168 = arith.constant 0 : i32
        %dma_wait3A_169 = arith.constant 0 : i32
        %dma_wait3A_170 = tpu.memref_slice %arg10[%dma_wait3A_168, %dma_wait3A_169] : memref<10240x128xf32, #tpu.memory_space<vmem_shared>> -> memref<10240x128xf32, #tpu.memory_space<vmem_shared>>
        %dma_wait3A_171 = tpu.memref_slice %arg13[%rem3A_107] : memref<3x!tpu.dma_semaphore, #tpu.memory_space<semaphore_mem>> -> memref<1x!tpu.dma_semaphore, #tpu.memory_space<semaphore_mem>>
        %dma_wait3A_172 = tpu.memref_squeeze %dma_wait3A_171 : memref<1x!tpu.dma_semaphore, #tpu.memory_space<semaphore_mem>> -> memref<!tpu.dma_semaphore, #tpu.memory_space<semaphore_mem>>
        tpu.wait_indirect_dma semaphore(%dma_wait3A_172 : memref<!tpu.dma_semaphore, #tpu.memory_space<semaphore_mem>>) src(%dma_wait3A_164 : memref<96x128xf32, #tpu.memory_space<vmem>>) dst(%dma_wait3A_170 : memref<10240x128xf32, #tpu.memory_space<vmem_shared>>)
      } else {
      }
      %add3A_154 = arith.constant 2 : i32
      %add3A_155 = arith.addi %add3A_102, %add3A_154 : i32
      %lt3A = arith.constant 112 : i32
      %lt3A_156 = arith.cmpi slt, %add3A_155, %lt3A : i32
      %convert_element_type3A_157 = arith.extui %lt3A_156 : i1 to i32
      %cond3A_158 = arith.constant 0 : i32
      %cond3A_159 = arith.cmpi ne, %convert_element_type3A_157, %cond3A_158 : i32
      scf.if %cond3A_159 {
        %mul3A_160 = arith.constant 96 : i32
        %mul3A_161 = arith.muli %add3A_155, %mul3A_160 : i32
        %dma_start3A_162 = arith.constant 0 : i32
        %dma_start3A_163 = arith.constant 0 : i32
        %dma_start3A_164 = tpu.memref_slice %arg9[%rem3A_107, %dma_start3A_162, %dma_start3A_163] : memref<3x96x128xf32, #tpu.memory_space<vmem>> -> memref<1x96x128xf32, #tpu.memory_space<vmem>>
        %dma_start3A_165 = tpu.memref_squeeze %dma_start3A_164 : memref<1x96x128xf32, #tpu.memory_space<vmem>> -> memref<96x128xf32, #tpu.memory_space<vmem>>
        %dma_start3A_166 = tpu.memref_slice %arg7[%mul3A_161] : memref<10752xi32, #tpu.memory_space<vmem>> -> memref<96xi32, #tpu.memory_space<vmem>>
        %dma_start3A_167 = arith.constant 0 : i32
        %dma_start3A_168 = arith.constant 0 : i32
        %dma_start3A_169 = tpu.memref_slice %arg2[%dma_start3A_167, %dma_start3A_168] : memref<10240x128xf32, #tpu.memory_space<hbm>> -> memref<10240x128xf32, #tpu.memory_space<hbm>>
        %dma_start3A_170 = tpu.memref_slice %arg11[%rem3A_107] : memref<3x!tpu.dma_semaphore, #tpu.memory_space<semaphore_mem>> -> memref<1x!tpu.dma_semaphore, #tpu.memory_space<semaphore_mem>>
        %dma_start3A_171 = tpu.memref_squeeze %dma_start3A_170 : memref<1x!tpu.dma_semaphore, #tpu.memory_space<semaphore_mem>> -> memref<!tpu.dma_semaphore, #tpu.memory_space<semaphore_mem>>
        tpu.enqueue_indirect_dma source(%dma_start3A_169 : memref<10240x128xf32, #tpu.memory_space<hbm>>) target(%dma_start3A_165 : memref<96x128xf32, #tpu.memory_space<vmem>>) offsets(%dma_start3A_166 : memref<96xi32, #tpu.memory_space<vmem>>) semaphore(%dma_start3A_171 : memref<!tpu.dma_semaphore, #tpu.memory_space<semaphore_mem>>)
        %add3A_172 = arith.addi %mul3A_2, %add3A_155 : i32
        %dma_start3A_173 = arith.constant 0 : i32
        %dma_start3A_174 = arith.constant 0 : i32
        %dma_start3A_175 = tpu.memref_slice %arg8[%rem3A_107, %dma_start3A_173, %dma_start3A_174] : memref<3x1x96xi32, #tpu.memory_space<vmem>> -> memref<1x1x96xi32, #tpu.memory_space<vmem>>
        %dma_start3A_176 = tpu.memref_squeeze %dma_start3A_175 : memref<1x1x96xi32, #tpu.memory_space<vmem>> -> memref<1x96xi32, #tpu.memory_space<vmem>>
        %dma_start3A_177 = arith.constant 0 : i32
        %dma_start3A_178 = arith.constant 0 : i32
        %dma_start3A_179 = tpu.memref_slice %arg4[%add3A_172, %dma_start3A_177, %dma_start3A_178] : memref<3584x1x96xi32, #tpu.memory_space<hbm>> -> memref<1x1x96xi32, #tpu.memory_space<hbm>>
        %dma_start3A_180 = tpu.memref_squeeze %dma_start3A_179 : memref<1x1x96xi32, #tpu.memory_space<hbm>> -> memref<1x96xi32, #tpu.memory_space<hbm>>
        %dma_start3A_181 = tpu.memref_slice %arg12[%rem3A_107] : memref<3x!tpu.dma_semaphore, #tpu.memory_space<semaphore_mem>> -> memref<1x!tpu.dma_semaphore, #tpu.memory_space<semaphore_mem>>
        %dma_start3A_182 = tpu.memref_squeeze %dma_start3A_181 : memref<1x!tpu.dma_semaphore, #tpu.memory_space<semaphore_mem>> -> memref<!tpu.dma_semaphore, #tpu.memory_space<semaphore_mem>>
        %dma_start3A_183 = arith.constant 0 : i32
        %dma_start3A_184 = arith.constant 0 : i32
        %dma_start3A_185 = tpu.memref_slice %arg8[%rem3A_107, %dma_start3A_183, %dma_start3A_184] : memref<3x1x96xi32, #tpu.memory_space<vmem>> -> memref<1x1x96xi32, #tpu.memory_space<vmem>>
        %dma_start3A_186 = tpu.memref_squeeze %dma_start3A_185 : memref<1x1x96xi32, #tpu.memory_space<vmem>> -> memref<1x96xi32, #tpu.memory_space<vmem>>
        %dma_start3A_187 = arith.constant 0 : i32
        %dma_start3A_188 = arith.constant 0 : i32
        %dma_start3A_189 = tpu.memref_slice %arg4[%add3A_172, %dma_start3A_187, %dma_start3A_188] : memref<3584x1x96xi32, #tpu.memory_space<hbm>> -> memref<1x1x96xi32, #tpu.memory_space<hbm>>
        %dma_start3A_190 = tpu.memref_squeeze %dma_start3A_189 : memref<1x1x96xi32, #tpu.memory_space<hbm>> -> memref<1x96xi32, #tpu.memory_space<hbm>>
        tpu.enqueue_dma source(%dma_start3A_190 : memref<1x96xi32, #tpu.memory_space<hbm>>) target(%dma_start3A_186 : memref<1x96xi32, #tpu.memory_space<vmem>>) target_semaphore(%dma_start3A_182 : memref<!tpu.dma_semaphore, #tpu.memory_space<semaphore_mem>>)
      } else {
      }
    }
    %scan3A_79 = arith.constant 112 : i32
    %dma_wait3A = arith.constant 0 : i32
    %dma_wait3A_80 = arith.constant 0 : i32
    %dma_wait3A_81 = arith.constant 0 : i32
    %dma_wait3A_82 = arith.constant 0 : i32
    %dma_wait3A_83 = arith.constant 0 : i32
    %dma_wait3A_84 = arith.constant 0 : i32
    %dma_wait3A_85 = tpu.memref_slice %arg9[%dma_wait3A, %dma_wait3A_83, %dma_wait3A_84] : memref<3x96x128xf32, #tpu.memory_space<vmem>> -> memref<1x96x128xf32, #tpu.memory_space<vmem>>
    %dma_wait3A_86 = tpu.memref_squeeze %dma_wait3A_85 : memref<1x96x128xf32, #tpu.memory_space<vmem>> -> memref<96x128xf32, #tpu.memory_space<vmem>>
    %dma_wait3A_87 = arith.constant 0 : i32
    %dma_wait3A_88 = tpu.memref_slice %arg8[%dma_wait3A_80, %dma_wait3A_81, %dma_wait3A_87] : memref<3x1x96xi32, #tpu.memory_space<vmem>> -> memref<1x1x96xi32, #tpu.memory_space<vmem>>
    %dma_wait3A_89 = tpu.memref_squeeze %dma_wait3A_88 : memref<1x1x96xi32, #tpu.memory_space<vmem>> -> memref<96xi32, #tpu.memory_space<vmem>>
    %dma_wait3A_90 = arith.constant 0 : i32
    %dma_wait3A_91 = arith.constant 0 : i32
    %dma_wait3A_92 = tpu.memref_slice %arg10[%dma_wait3A_90, %dma_wait3A_91] : memref<10240x128xf32, #tpu.memory_space<vmem_shared>> -> memref<10240x128xf32, #tpu.memory_space<vmem_shared>>
    %dma_wait3A_93 = tpu.memref_slice %arg13[%dma_wait3A_82] : memref<3x!tpu.dma_semaphore, #tpu.memory_space<semaphore_mem>> -> memref<1x!tpu.dma_semaphore, #tpu.memory_space<semaphore_mem>>
    %dma_wait3A_94 = tpu.memref_squeeze %dma_wait3A_93 : memref<1x!tpu.dma_semaphore, #tpu.memory_space<semaphore_mem>> -> memref<!tpu.dma_semaphore, #tpu.memory_space<semaphore_mem>>
    tpu.wait_indirect_dma semaphore(%dma_wait3A_94 : memref<!tpu.dma_semaphore, #tpu.memory_space<semaphore_mem>>) src(%dma_wait3A_86 : memref<96x128xf32, #tpu.memory_space<vmem>>) dst(%dma_wait3A_92 : memref<10240x128xf32, #tpu.memory_space<vmem_shared>>)
    %barrier3A_95 = arith.constant 0 : index
    tpu.barrier barrier_id(%barrier3A_95)
    %mul3A_96 = arith.constant 640 : i32
    %mul3A_97 = arith.muli %arg1, %mul3A_96 : i32
    "tpu.region"() ({
      %run_scoped3A = tpu.sem_alloc : memref<!tpu.dma_semaphore, #tpu.memory_space<semaphore_mem>>
      %dma_start3A_98 = arith.constant 0 : i32
      %dma_start3A_99 = tpu.memref_slice %arg6[%arg0, %mul3A_97, %dma_start3A_98] : memref<2x10240x128xf32, #tpu.memory_space<hbm>> -> memref<1x640x128xf32, #tpu.memory_space<hbm>>
      %dma_start3A_100 = tpu.memref_squeeze %dma_start3A_99 : memref<1x640x128xf32, #tpu.memory_space<hbm>> -> memref<640x128xf32, #tpu.memory_space<hbm>>
      %dma_start3A_101 = arith.constant 0 : i32
      %dma_start3A_102 = tpu.memref_slice %arg10[%mul3A_97, %dma_start3A_101] : memref<10240x128xf32, #tpu.memory_space<vmem_shared>> -> memref<640x128xf32, #tpu.memory_space<vmem_shared>>
      tpu.enqueue_dma source(%dma_start3A_102 : memref<640x128xf32, #tpu.memory_space<vmem_shared>>) target(%dma_start3A_100 : memref<640x128xf32, #tpu.memory_space<hbm>>) target_semaphore(%run_scoped3A : memref<!tpu.dma_semaphore, #tpu.memory_space<semaphore_mem>>)
      %dma_wait3A_103 = arith.constant 0 : i32
      %dma_wait3A_104 = tpu.memref_slice %arg6[%arg0, %mul3A_97, %dma_wait3A_103] : memref<2x10240x128xf32, #tpu.memory_space<hbm>> -> memref<1x640x128xf32, #tpu.memory_space<hbm>>
      %dma_wait3A_105 = tpu.memref_squeeze %dma_wait3A_104 : memref<1x640x128xf32, #tpu.memory_space<hbm>> -> memref<640x128xf32, #tpu.memory_space<hbm>>
      %dma_wait3A_106 = arith.constant 0 : i32
      %dma_wait3A_107 = tpu.memref_slice %arg10[%mul3A_97, %dma_wait3A_106] : memref<10240x128xf32, #tpu.memory_space<vmem_shared>> -> memref<640x128xf32, #tpu.memory_space<vmem_shared>>
      tpu.wait_dma2 semaphore(%run_scoped3A : memref<!tpu.dma_semaphore, #tpu.memory_space<semaphore_mem>>) src(%dma_wait3A_107 : memref<640x128xf32, #tpu.memory_space<vmem_shared>>) dst(%dma_wait3A_105 : memref<640x128xf32, #tpu.memory_space<hbm>>)
      tpu.yield
    }) : () -> ()
    return
  }
}

module attributes {stable_mosaic.version = 14 : i64} {
  func.func @_conv_block(%arg0: i32, %arg1: memref<2x1280x128xf32, #tpu.memory_space<vmem>>, %arg2: memref<1280x128xf32, #tpu.memory_space<vmem>>, %arg3: memref<128x128xf32, #tpu.memory_space<vmem>>, %arg4: memref<128x128xf32, #tpu.memory_space<vmem>>, %arg5: memref<1x128xf32, #tpu.memory_space<vmem>>, %arg6: memref<1280x128xf32, #tpu.memory_space<vmem>>) attributes {dimension_semantics = [#tpu.dimension_semantics<arbitrary>], iteration_bounds = array<i64: 8>, scalar_prefetch = 0 : i64, scratch_operands = 0 : i64, tpu.core_type = #tpu.core_type<tc>, window_params = [{transform_indices = @transform_0, window_bounds = array<i64: 2, 1280, 128>}, {transform_indices = @transform_1, window_bounds = array<i64: 1280, 128>}, {pipeline_mode = #tpu.pipeline_mode<synchronous>, transform_indices = @transform_2, window_bounds = array<i64: 128, 128>}, {pipeline_mode = #tpu.pipeline_mode<synchronous>, transform_indices = @transform_3, window_bounds = array<i64: 128, 128>}, {pipeline_mode = #tpu.pipeline_mode<synchronous>, transform_indices = @transform_4, window_bounds = array<i64: 1, 128>}, {transform_indices = @transform_5, window_bounds = array<i64: 1280, 128>}]} {
    %get3A = arith.constant 0 : index
    %get3A_0 = arith.constant 0 : index
    %get3A_1 = arith.constant 0 : index
    %get3A_2 = vector.load %arg1[%get3A, %get3A_0, %get3A_1] : memref<2x1280x128xf32, #tpu.memory_space<vmem>>, vector<1x1280x128xf32>
    %get3A_3 = vector.shape_cast %get3A_2 : vector<1x1280x128xf32> to vector<1280x128xf32>
    %get3A_4 = arith.constant 1 : index
    %get3A_5 = arith.constant 0 : index
    %get3A_6 = arith.constant 0 : index
    %get3A_7 = vector.load %arg1[%get3A_4, %get3A_5, %get3A_6] : memref<2x1280x128xf32, #tpu.memory_space<vmem>>, vector<1x1280x128xf32>
    %get3A_8 = vector.shape_cast %get3A_7 : vector<1x1280x128xf32> to vector<1280x128xf32>
    %add3A = arith.addf %get3A_3, %get3A_8 : vector<1280x128xf32>
    %get3A_9 = arith.constant 0 : index
    %get3A_10 = arith.constant 0 : index
    %get3A_11 = vector.load %arg3[%get3A_9, %get3A_10] : memref<128x128xf32, #tpu.memory_space<vmem>>, vector<128x128xf32>
    %dot_general3A = arith.constant dense<0.000000e+00> : vector<1280x128xf32>
    %dot_general3A_12 = tpu.matmul %add3A, %get3A_11, %dot_general3A {dimension_numbers = #tpu.dot_dimension_numbers<[1], [1], [0], [0], [0, 0, 1, 0], [], []>, transpose_lhs_hint = false} : vector<1280x128xf32>, vector<128x128xf32>, vector<1280x128xf32> -> vector<1280x128xf32>
    %get3A_13 = arith.constant 0 : index
    %get3A_14 = arith.constant 0 : index
    %get3A_15 = vector.load %arg2[%get3A_13, %get3A_14] : memref<1280x128xf32, #tpu.memory_space<vmem>>, vector<1280x128xf32>
    %get3A_16 = arith.constant 0 : index
    %get3A_17 = arith.constant 0 : index
    %get3A_18 = vector.load %arg4[%get3A_16, %get3A_17] : memref<128x128xf32, #tpu.memory_space<vmem>>, vector<128x128xf32>
    %dot_general3A_19 = arith.constant dense<0.000000e+00> : vector<1280x128xf32>
    %dot_general3A_20 = tpu.matmul %get3A_15, %get3A_18, %dot_general3A_19 {dimension_numbers = #tpu.dot_dimension_numbers<[1], [1], [0], [0], [0, 0, 1, 0], [], []>, transpose_lhs_hint = false} : vector<1280x128xf32>, vector<128x128xf32>, vector<1280x128xf32> -> vector<1280x128xf32>
    %add3A_21 = arith.addf %dot_general3A_12, %dot_general3A_20 : vector<1280x128xf32>
    %get3A_22 = arith.constant 0 : index
    %get3A_23 = arith.constant 0 : index
    %get3A_24 = vector.load %arg5[%get3A_22, %get3A_23] : memref<1x128xf32, #tpu.memory_space<vmem>>, vector<1x128xf32>
    %add3A_25 = vector.broadcast %get3A_24 : vector<1x128xf32> to vector<1280x128xf32>
    %add3A_26 = arith.addf %add3A_21, %add3A_25 : vector<1280x128xf32>
    %max3A = arith.constant 0.000000e+00 : f32
    %max3A_27 = vector.broadcast %max3A : f32 to vector<1280x128xf32>
    %max3A_28 = arith.maximumf %add3A_26, %max3A_27 : vector<1280x128xf32>
    %swap3A = arith.constant 0 : index
    %swap3A_29 = arith.constant 0 : index
    %swap3A_30 = vector.load %arg6[%swap3A, %swap3A_29] : memref<1280x128xf32, #tpu.memory_space<vmem>>, vector<1280x128xf32>
    tpu.vector_store %arg6[%swap3A, %swap3A_29], %max3A_28 {strides = array<i32>} : memref<1280x128xf32, #tpu.memory_space<vmem>>, vector<1280x128xf32>,
    return
  }
  func.func @transform_0(%arg0: i32) -> (i32, i32, i32) {
    %c0_i32 = arith.constant 0 : i32
    %c0_i32_0 = arith.constant 0 : i32
    %c0_i32_1 = arith.constant 0 : i32
    return %c0_i32, %arg0, %c0_i32_0 : i32, i32, i32
  }
  func.func @transform_1(%arg0: i32) -> (i32, i32) {
    %c0_i32 = arith.constant 0 : i32
    %c0_i32_0 = arith.constant 0 : i32
    return %arg0, %c0_i32 : i32, i32
  }
  func.func @transform_2(%arg0: i32) -> (i32, i32) {
    %c0_i32 = arith.constant 0 : i32
    %c0_i32_0 = arith.constant 0 : i32
    %c0_i32_1 = arith.constant 0 : i32
    return %c0_i32, %c0_i32_0 : i32, i32
  }
  func.func @transform_3(%arg0: i32) -> (i32, i32) {
    %c0_i32 = arith.constant 0 : i32
    %c0_i32_0 = arith.constant 0 : i32
    %c0_i32_1 = arith.constant 0 : i32
    return %c0_i32, %c0_i32_0 : i32, i32
  }
  func.func @transform_4(%arg0: i32) -> (i32, i32) {
    %c0_i32 = arith.constant 0 : i32
    %c0_i32_0 = arith.constant 0 : i32
    %c0_i32_1 = arith.constant 0 : i32
    return %c0_i32, %c0_i32_0 : i32, i32
  }
  func.func @transform_5(%arg0: i32) -> (i32, i32) {
    %c0_i32 = arith.constant 0 : i32
    %c0_i32_0 = arith.constant 0 : i32
    return %arg0, %c0_i32 : i32, i32
  }
}

module attributes {stable_mosaic.version = 14 : i64} {
  func.func @_head_block(%arg0: i32, %arg1: memref<2x1280x128xf32, #tpu.memory_space<vmem>>, %arg2: memref<1280x128xf32, #tpu.memory_space<vmem>>, %arg3: memref<128x128xf32, #tpu.memory_space<vmem>>, %arg4: memref<128x128xf32, #tpu.memory_space<vmem>>, %arg5: memref<1x128xf32, #tpu.memory_space<vmem>>, %arg6: memref<8x128xf32, #tpu.memory_space<vmem>>, %arg7: memref<1x8xf32, #tpu.memory_space<vmem>>, %arg8: memref<2x8xf32, #tpu.memory_space<vmem>>, %arg9: memref<1x2xf32, #tpu.memory_space<vmem>>, %arg10: memref<1280x1xf32, #tpu.memory_space<vmem>>, %arg11: memref<1280x8xf32, #tpu.memory_space<vmem>>, %arg12: memref<8x128xf32, #tpu.memory_space<vmem>>, %arg13: memref<8x128xf32, #tpu.memory_space<vmem>>) attributes {dimension_semantics = [#tpu.dimension_semantics<arbitrary>], iteration_bounds = array<i64: 8>, scalar_prefetch = 0 : i64, scratch_operands = 0 : i64, tpu.core_type = #tpu.core_type<tc>, window_params = [{transform_indices = @transform_0, window_bounds = array<i64: 2, 1280, 128>}, {transform_indices = @transform_1, window_bounds = array<i64: 1280, 128>}, {pipeline_mode = #tpu.pipeline_mode<synchronous>, transform_indices = @transform_2, window_bounds = array<i64: 128, 128>}, {pipeline_mode = #tpu.pipeline_mode<synchronous>, transform_indices = @transform_3, window_bounds = array<i64: 128, 128>}, {pipeline_mode = #tpu.pipeline_mode<synchronous>, transform_indices = @transform_4, window_bounds = array<i64: 1, 128>}, {pipeline_mode = #tpu.pipeline_mode<synchronous>, transform_indices = @transform_5, window_bounds = array<i64: 8, 128>}, {pipeline_mode = #tpu.pipeline_mode<synchronous>, transform_indices = @transform_6, window_bounds = array<i64: 1, 8>}, {pipeline_mode = #tpu.pipeline_mode<synchronous>, transform_indices = @transform_7, window_bounds = array<i64: 2, 8>}, {pipeline_mode = #tpu.pipeline_mode<synchronous>, transform_indices = @transform_8, window_bounds = array<i64: 1, 2>}, {transform_indices = @transform_9, window_bounds = array<i64: 1280, 1>}, {transform_indices = @transform_10, window_bounds = array<i64: 1280, 8>}, {pipeline_mode = #tpu.pipeline_mode<synchronous>, transform_indices = @transform_11, window_bounds = array<i64: 8, 128>}, {pipeline_mode = #tpu.pipeline_mode<synchronous>, transform_indices = @transform_12, window_bounds = array<i64: 8, 128>}]} {
    %get3A = arith.constant 0 : index
    %get3A_0 = arith.constant 0 : index
    %get3A_1 = arith.constant 0 : index
    %get3A_2 = vector.load %arg1[%get3A, %get3A_0, %get3A_1] : memref<2x1280x128xf32, #tpu.memory_space<vmem>>, vector<1x1280x128xf32>
    %get3A_3 = vector.shape_cast %get3A_2 : vector<1x1280x128xf32> to vector<1280x128xf32>
    %get3A_4 = arith.constant 1 : index
    %get3A_5 = arith.constant 0 : index
    %get3A_6 = arith.constant 0 : index
    %get3A_7 = vector.load %arg1[%get3A_4, %get3A_5, %get3A_6] : memref<2x1280x128xf32, #tpu.memory_space<vmem>>, vector<1x1280x128xf32>
    %get3A_8 = vector.shape_cast %get3A_7 : vector<1x1280x128xf32> to vector<1280x128xf32>
    %add3A = arith.addf %get3A_3, %get3A_8 : vector<1280x128xf32>
    %get3A_9 = arith.constant 0 : index
    %get3A_10 = arith.constant 0 : index
    %get3A_11 = vector.load %arg3[%get3A_9, %get3A_10] : memref<128x128xf32, #tpu.memory_space<vmem>>, vector<128x128xf32>
    %dot_general3A = arith.constant dense<0.000000e+00> : vector<1280x128xf32>
    %dot_general3A_12 = tpu.matmul %add3A, %get3A_11, %dot_general3A {dimension_numbers = #tpu.dot_dimension_numbers<[1], [1], [0], [0], [0, 0, 1, 0], [], []>, transpose_lhs_hint = false} : vector<1280x128xf32>, vector<128x128xf32>, vector<1280x128xf32> -> vector<1280x128xf32>
    %get3A_13 = arith.constant 0 : index
    %get3A_14 = arith.constant 0 : index
    %get3A_15 = vector.load %arg2[%get3A_13, %get3A_14] : memref<1280x128xf32, #tpu.memory_space<vmem>>, vector<1280x128xf32>
    %get3A_16 = arith.constant 0 : index
    %get3A_17 = arith.constant 0 : index
    %get3A_18 = vector.load %arg4[%get3A_16, %get3A_17] : memref<128x128xf32, #tpu.memory_space<vmem>>, vector<128x128xf32>
    %dot_general3A_19 = arith.constant dense<0.000000e+00> : vector<1280x128xf32>
    %dot_general3A_20 = tpu.matmul %get3A_15, %get3A_18, %dot_general3A_19 {dimension_numbers = #tpu.dot_dimension_numbers<[1], [1], [0], [0], [0, 0, 1, 0], [], []>, transpose_lhs_hint = false} : vector<1280x128xf32>, vector<128x128xf32>, vector<1280x128xf32> -> vector<1280x128xf32>
    %add3A_21 = arith.addf %dot_general3A_12, %dot_general3A_20 : vector<1280x128xf32>
    %get3A_22 = arith.constant 0 : index
    %get3A_23 = arith.constant 0 : index
    %get3A_24 = vector.load %arg5[%get3A_22, %get3A_23] : memref<1x128xf32, #tpu.memory_space<vmem>>, vector<1x128xf32>
    %add3A_25 = vector.broadcast %get3A_24 : vector<1x128xf32> to vector<1280x128xf32>
    %add3A_26 = arith.addf %add3A_21, %add3A_25 : vector<1280x128xf32>
    %max3A = arith.constant 0.000000e+00 : f32
    %max3A_27 = vector.broadcast %max3A : f32 to vector<1280x128xf32>
    %max3A_28 = arith.maximumf %add3A_26, %max3A_27 : vector<1280x128xf32>
    %iota3A = tpu.iota {dimensions = array<i32: 1>} : vector<1280x128xi32>
    %lt3A = arith.constant 8 : i32
    %lt3A_29 = vector.broadcast %lt3A : i32 to vector<1280x128xi32>
    %lt3A_30 = arith.cmpi slt, %iota3A, %lt3A_29 : vector<1280x128xi32>
    %jit3A = arith.constant 0xFF800000 : f32
    %broadcast_in_dim3A = vector.broadcast %jit3A : f32 to vector<1280x128xf32>
    %select_n3A = arith.select %lt3A_30, %max3A_28, %broadcast_in_dim3A : vector<1280x128xi1>, vector<1280x128xf32>
    %reduce_max3A = arith.constant dense<0xFF800000> : vector<1280xf32>
    %reduce_max3A_31 = vector.multi_reduction <maximumf>, %select_n3A, %reduce_max3A [1] : vector<1280x128xf32> to vector<1280xf32>
    %broadcast_in_dim3A_32 = vector.shape_cast %reduce_max3A_31 : vector<1280xf32> to vector<1280x1xf32>
    %sub3A = vector.broadcast %broadcast_in_dim3A_32 : vector<1280x1xf32> to vector<1280x128xf32>
    %sub3A_33 = arith.subf %max3A_28, %sub3A : vector<1280x128xf32>
    %exp3A = math.exp %sub3A_33 : vector<1280x128xf32>
    %jit3A_34 = arith.constant 0.000000e+00 : f32
    %broadcast_in_dim3A_35 = vector.broadcast %jit3A_34 : f32 to vector<1280x128xf32>
    %select_n3A_36 = arith.select %lt3A_30, %exp3A, %broadcast_in_dim3A_35 : vector<1280x128xi1>, vector<1280x128xf32>
    %reduce_sum3A = arith.constant dense<0.000000e+00> : vector<1280xf32>
    %reduce_sum3A_37 = vector.multi_reduction <add>, %select_n3A_36, %reduce_sum3A [1] : vector<1280x128xf32> to vector<1280xf32>
    %broadcast_in_dim3A_38 = vector.shape_cast %reduce_sum3A_37 : vector<1280xf32> to vector<1280x1xf32>
    %div3A = vector.broadcast %broadcast_in_dim3A_38 : vector<1280x1xf32> to vector<1280x128xf32>
    %div3A_39 = arith.divf %select_n3A_36, %div3A : vector<1280x128xf32>
    %slice3A = vector.extract_strided_slice %div3A_39 {offsets = [0, 0], sizes = [1280, 8], strides = [1, 1]} : vector<1280x128xf32> to vector<1280x8xf32>
    %swap3A = arith.constant 0 : index
    %swap3A_40 = arith.constant 0 : index
    %swap3A_41 = vector.load %arg11[%swap3A, %swap3A_40] : memref<1280x8xf32, #tpu.memory_space<vmem>>, vector<1280x8xf32>
    tpu.vector_store %arg11[%swap3A, %swap3A_40], %slice3A {strides = array<i32>} : memref<1280x8xf32, #tpu.memory_space<vmem>>, vector<1280x8xf32>,
    %get3A_42 = arith.constant 0 : index
    %get3A_43 = arith.constant 0 : index
    %get3A_44 = vector.load %arg6[%get3A_42, %get3A_43] : memref<8x128xf32, #tpu.memory_space<vmem>>, vector<8x128xf32>
    %dot_general3A_45 = arith.constant dense<0.000000e+00> : vector<1280x8xf32>
    %dot_general3A_46 = tpu.matmul %max3A_28, %get3A_44, %dot_general3A_45 {dimension_numbers = #tpu.dot_dimension_numbers<[1], [1], [0], [0], [0, 0, 1, 0], [], []>, transpose_lhs_hint = false} : vector<1280x128xf32>, vector<8x128xf32>, vector<1280x8xf32> -> vector<1280x8xf32>
    %get3A_47 = arith.constant 0 : index
    %get3A_48 = arith.constant 0 : index
    %get3A_49 = vector.load %arg7[%get3A_47, %get3A_48] : memref<1x8xf32, #tpu.memory_space<vmem>>, vector<1x8xf32>
    %add3A_50 = vector.broadcast %get3A_49 : vector<1x8xf32> to vector<1280x8xf32>
    %add3A_51 = arith.addf %dot_general3A_46, %add3A_50 : vector<1280x8xf32>
    %max3A_52 = arith.constant 0.000000e+00 : f32
    %max3A_53 = vector.broadcast %max3A_52 : f32 to vector<1280x8xf32>
    %max3A_54 = arith.maximumf %add3A_51, %max3A_53 : vector<1280x8xf32>
    %get3A_55 = arith.constant 0 : index
    %get3A_56 = arith.constant 0 : index
    %get3A_57 = vector.load %arg8[%get3A_55, %get3A_56] : memref<2x8xf32, #tpu.memory_space<vmem>>, vector<2x8xf32>
    %dot_general3A_58 = arith.constant dense<0.000000e+00> : vector<1280x2xf32>
    %dot_general3A_59 = tpu.matmul %max3A_54, %get3A_57, %dot_general3A_58 {dimension_numbers = #tpu.dot_dimension_numbers<[1], [1], [0], [0], [0, 0, 1, 0], [], []>, transpose_lhs_hint = false} : vector<1280x8xf32>, vector<2x8xf32>, vector<1280x2xf32> -> vector<1280x2xf32>
    %get3A_60 = arith.constant 0 : index
    %get3A_61 = arith.constant 0 : index
    %get3A_62 = vector.load %arg9[%get3A_60, %get3A_61] : memref<1x2xf32, #tpu.memory_space<vmem>>, vector<1x2xf32>
    %add3A_63 = vector.broadcast %get3A_62 : vector<1x2xf32> to vector<1280x2xf32>
    %add3A_64 = arith.addf %dot_general3A_59, %add3A_63 : vector<1280x2xf32>
    %max3A_65 = arith.constant 0.000000e+00 : f32
    %max3A_66 = vector.broadcast %max3A_65 : f32 to vector<1280x2xf32>
    %max3A_67 = arith.maximumf %add3A_64, %max3A_66 : vector<1280x2xf32>
    %get3A_68 = arith.constant 0 : index
    %get3A_69 = arith.constant 0 : index
    %get3A_70 = vector.load %arg10[%get3A_68, %get3A_69] : memref<1280x1xf32, #tpu.memory_space<vmem>>, vector<1280x1xf32>
    %iota3A_71 = tpu.iota {dimensions = array<i32: 1>} : vector<1280x128xi32>
    %convert_element_type3A = arith.sitofp %iota3A_71 : vector<1280x128xi32> to vector<1280x128xf32>
    %eq3A = vector.broadcast %get3A_70 : vector<1280x1xf32> to vector<1280x128xf32>
    %eq3A_72 = arith.cmpf oeq, %eq3A, %convert_element_type3A : vector<1280x128xf32>
    %slice3A_73 = vector.extract_strided_slice %max3A_67 {offsets = [0, 0], sizes = [1280, 1], strides = [1, 1]} : vector<1280x2xf32> to vector<1280x1xf32>
    %jit3A_74 = arith.constant 0xFF800000 : f32
    %broadcast_in_dim3A_75 = vector.shape_cast %slice3A_73 : vector<1280x1xf32> to vector<1280x1xf32>
    %broadcast_in_dim3A_76 = vector.broadcast %broadcast_in_dim3A_75 : vector<1280x1xf32> to vector<1280x128xf32>
    %broadcast_in_dim3A_77 = vector.broadcast %jit3A_74 : f32 to vector<1280x128xf32>
    %select_n3A_78 = arith.select %eq3A_72, %broadcast_in_dim3A_76, %broadcast_in_dim3A_77 : vector<1280x128xi1>, vector<1280x128xf32>
    %reduce_max3A_79 = arith.constant dense<0xFF800000> : vector<128xf32>
    %reduce_max3A_80 = vector.multi_reduction <maximumf>, %select_n3A_78, %reduce_max3A_79 [0] : vector<1280x128xf32> to vector<128xf32>
    %broadcast_in_dim3A_81 = vector.shape_cast %reduce_max3A_80 : vector<128xf32> to vector<1x128xf32>
    %slice3A_82 = vector.extract_strided_slice %max3A_67 {offsets = [0, 1], sizes = [1280, 1], strides = [1, 1]} : vector<1280x2xf32> to vector<1280x1xf32>
    %jit3A_83 = arith.constant 0xFF800000 : f32
    %broadcast_in_dim3A_84 = vector.shape_cast %slice3A_82 : vector<1280x1xf32> to vector<1280x1xf32>
    %broadcast_in_dim3A_85 = vector.broadcast %broadcast_in_dim3A_84 : vector<1280x1xf32> to vector<1280x128xf32>
    %broadcast_in_dim3A_86 = vector.broadcast %jit3A_83 : f32 to vector<1280x128xf32>
    %select_n3A_87 = arith.select %eq3A_72, %broadcast_in_dim3A_85, %broadcast_in_dim3A_86 : vector<1280x128xi1>, vector<1280x128xf32>
    %reduce_max3A_88 = arith.constant dense<0xFF800000> : vector<128xf32>
    %reduce_max3A_89 = vector.multi_reduction <maximumf>, %select_n3A_87, %reduce_max3A_88 [0] : vector<1280x128xf32> to vector<128xf32>
    %broadcast_in_dim3A_90 = vector.shape_cast %reduce_max3A_89 : vector<128xf32> to vector<1x128xf32>
    %iota3A_91 = tpu.iota {dimensions = array<i32: 0>} : vector<8x128xi32>
    %eq3A_92 = arith.constant 0 : i32
    %eq3A_93 = vector.broadcast %eq3A_92 : i32 to vector<8x128xi32>
    %eq3A_94 = arith.cmpi eq, %iota3A_91, %eq3A_93 : vector<8x128xi32>
    %eq3A_95 = arith.constant 1 : i32
    %eq3A_96 = vector.broadcast %eq3A_95 : i32 to vector<8x128xi32>
    %eq3A_97 = arith.cmpi eq, %iota3A_91, %eq3A_96 : vector<8x128xi32>
    %jit3A_98 = arith.constant 0xFF800000 : f32
    %broadcast_in_dim3A_99 = vector.shape_cast %broadcast_in_dim3A_90 : vector<1x128xf32> to vector<1x128xf32>
    %broadcast_in_dim3A_100 = vector.broadcast %broadcast_in_dim3A_99 : vector<1x128xf32> to vector<8x128xf32>
    %broadcast_in_dim3A_101 = vector.broadcast %jit3A_98 : f32 to vector<8x128xf32>
    %select_n3A_102 = arith.select %eq3A_97, %broadcast_in_dim3A_100, %broadcast_in_dim3A_101 : vector<8x128xi1>, vector<8x128xf32>
    %broadcast_in_dim3A_103 = vector.shape_cast %broadcast_in_dim3A_81 : vector<1x128xf32> to vector<1x128xf32>
    %broadcast_in_dim3A_104 = vector.broadcast %broadcast_in_dim3A_103 : vector<1x128xf32> to vector<8x128xf32>
    %select_n3A_105 = arith.select %eq3A_94, %broadcast_in_dim3A_104, %select_n3A_102 : vector<8x128xi1>, vector<8x128xf32>
    %eq3A_106 = arith.constant 0 : i32
    %eq3A_107 = arith.cmpi eq, %arg0, %eq3A_106 : i32
    %convert_element_type3A_108 = arith.extui %eq3A_107 : i1 to i32
    %cond3A = arith.constant 0xFF800000 : f32
    %cond3A_109 = arith.constant 0 : i32
    %cond3A_110 = arith.cmpi ne, %convert_element_type3A_108, %cond3A_109 : i32
    scf.if %cond3A_110 {
      %broadcast_in_dim3A_148 = vector.broadcast %cond3A : f32 to vector<8x128xf32>
      %swap3A_149 = arith.constant 0 : index
      %swap3A_150 = arith.constant 0 : index
      %swap3A_151 = vector.load %arg12[%swap3A_149, %swap3A_150] : memref<8x128xf32, #tpu.memory_space<vmem>>, vector<8x128xf32>
      tpu.vector_store %arg12[%swap3A_149, %swap3A_150], %broadcast_in_dim3A_148 {strides = array<i32>} : memref<8x128xf32, #tpu.memory_space<vmem>>, vector<8x128xf32>,
    } else {
    }
    %get3A_111 = arith.constant 0 : index
    %get3A_112 = arith.constant 0 : index
    %get3A_113 = vector.load %arg12[%get3A_111, %get3A_112] : memref<8x128xf32, #tpu.memory_space<vmem>>, vector<8x128xf32>
    %max3A_114 = arith.maximumf %get3A_113, %select_n3A_105 : vector<8x128xf32>
    %swap3A_115 = arith.constant 0 : index
    %swap3A_116 = arith.constant 0 : index
    %swap3A_117 = vector.load %arg12[%swap3A_115, %swap3A_116] : memref<8x128xf32, #tpu.memory_space<vmem>>, vector<8x128xf32>
    tpu.vector_store %arg12[%swap3A_115, %swap3A_116], %max3A_114 {strides = array<i32>} : memref<8x128xf32, #tpu.memory_space<vmem>>, vector<8x128xf32>,
    %get3A_118 = arith.constant 0 : index
    %get3A_119 = arith.constant 0 : index
    %get3A_120 = vector.load %arg12[%get3A_118, %get3A_119] : memref<8x128xf32, #tpu.memory_space<vmem>>, vector<8x128xf32>
    %slice3A_121 = vector.extract_strided_slice %get3A_120 {offsets = [0, 0], sizes = [1, 128], strides = [1, 1]} : vector<8x128xf32> to vector<1x128xf32>
    %slice3A_122 = vector.extract_strided_slice %get3A_120 {offsets = [1, 0], sizes = [1, 128], strides = [1, 1]} : vector<8x128xf32> to vector<1x128xf32>
    %max3A_123 = arith.maximumf %slice3A_121, %slice3A_122 : vector<1x128xf32>
    %sub3A_124 = arith.subf %slice3A_121, %max3A_123 : vector<1x128xf32>
    %exp3A_125 = math.exp %sub3A_124 : vector<1x128xf32>
    %sub3A_126 = arith.subf %slice3A_122, %max3A_123 : vector<1x128xf32>
    %exp3A_127 = math.exp %sub3A_126 : vector<1x128xf32>
    %add3A_128 = arith.addf %exp3A_125, %exp3A_127 : vector<1x128xf32>
    %eq3A_129 = arith.constant 0 : i32
    %eq3A_130 = vector.broadcast %eq3A_129 : i32 to vector<8x128xi32>
    %eq3A_131 = arith.cmpi eq, %iota3A_91, %eq3A_130 : vector<8x128xi32>
    %div3A_132 = arith.divf %exp3A_125, %add3A_128 : vector<1x128xf32>
    %eq3A_133 = arith.constant 1 : i32
    %eq3A_134 = vector.broadcast %eq3A_133 : i32 to vector<8x128xi32>
    %eq3A_135 = arith.cmpi eq, %iota3A_91, %eq3A_134 : vector<8x128xi32>
    %div3A_136 = arith.divf %exp3A_127, %add3A_128 : vector<1x128xf32>
    %jit3A_137 = arith.constant 0.000000e+00 : f32
    %broadcast_in_dim3A_138 = vector.shape_cast %div3A_136 : vector<1x128xf32> to vector<1x128xf32>
    %broadcast_in_dim3A_139 = vector.broadcast %broadcast_in_dim3A_138 : vector<1x128xf32> to vector<8x128xf32>
    %broadcast_in_dim3A_140 = vector.broadcast %jit3A_137 : f32 to vector<8x128xf32>
    %select_n3A_141 = arith.select %eq3A_135, %broadcast_in_dim3A_139, %broadcast_in_dim3A_140 : vector<8x128xi1>, vector<8x128xf32>
    %broadcast_in_dim3A_142 = vector.shape_cast %div3A_132 : vector<1x128xf32> to vector<1x128xf32>
    %broadcast_in_dim3A_143 = vector.broadcast %broadcast_in_dim3A_142 : vector<1x128xf32> to vector<8x128xf32>
    %select_n3A_144 = arith.select %eq3A_131, %broadcast_in_dim3A_143, %select_n3A_141 : vector<8x128xi1>, vector<8x128xf32>
    %swap3A_145 = arith.constant 0 : index
    %swap3A_146 = arith.constant 0 : index
    %swap3A_147 = vector.load %arg13[%swap3A_145, %swap3A_146] : memref<8x128xf32, #tpu.memory_space<vmem>>, vector<8x128xf32>
    tpu.vector_store %arg13[%swap3A_145, %swap3A_146], %select_n3A_144 {strides = array<i32>} : memref<8x128xf32, #tpu.memory_space<vmem>>, vector<8x128xf32>,
    return
  }
  func.func @transform_0(%arg0: i32) -> (i32, i32, i32) {
    %c0_i32 = arith.constant 0 : i32
    %c0_i32_0 = arith.constant 0 : i32
    %c0_i32_1 = arith.constant 0 : i32
    return %c0_i32, %arg0, %c0_i32_0 : i32, i32, i32
  }
  func.func @transform_1(%arg0: i32) -> (i32, i32) {
    %c0_i32 = arith.constant 0 : i32
    %c0_i32_0 = arith.constant 0 : i32
    return %arg0, %c0_i32 : i32, i32
  }
  func.func @transform_2(%arg0: i32) -> (i32, i32) {
    %c0_i32 = arith.constant 0 : i32
    %c0_i32_0 = arith.constant 0 : i32
    %c0_i32_1 = arith.constant 0 : i32
    return %c0_i32, %c0_i32_0 : i32, i32
  }
  func.func @transform_3(%arg0: i32) -> (i32, i32) {
    %c0_i32 = arith.constant 0 : i32
    %c0_i32_0 = arith.constant 0 : i32
    %c0_i32_1 = arith.constant 0 : i32
    return %c0_i32, %c0_i32_0 : i32, i32
  }
  func.func @transform_4(%arg0: i32) -> (i32, i32) {
    %c0_i32 = arith.constant 0 : i32
    %c0_i32_0 = arith.constant 0 : i32
    %c0_i32_1 = arith.constant 0 : i32
    return %c0_i32, %c0_i32_0 : i32, i32
  }
  func.func @transform_5(%arg0: i32) -> (i32, i32) {
    %c0_i32 = arith.constant 0 : i32
    %c0_i32_0 = arith.constant 0 : i32
    %c0_i32_1 = arith.constant 0 : i32
    return %c0_i32, %c0_i32_0 : i32, i32
  }
  func.func @transform_6(%arg0: i32) -> (i32, i32) {
    %c0_i32 = arith.constant 0 : i32
    %c0_i32_0 = arith.constant 0 : i32
    %c0_i32_1 = arith.constant 0 : i32
    return %c0_i32, %c0_i32_0 : i32, i32
  }
  func.func @transform_7(%arg0: i32) -> (i32, i32) {
    %c0_i32 = arith.constant 0 : i32
    %c0_i32_0 = arith.constant 0 : i32
    %c0_i32_1 = arith.constant 0 : i32
    return %c0_i32, %c0_i32_0 : i32, i32
  }
  func.func @transform_8(%arg0: i32) -> (i32, i32) {
    %c0_i32 = arith.constant 0 : i32
    %c0_i32_0 = arith.constant 0 : i32
    %c0_i32_1 = arith.constant 0 : i32
    return %c0_i32, %c0_i32_0 : i32, i32
  }
  func.func @transform_9(%arg0: i32) -> (i32, i32) {
    %c0_i32 = arith.constant 0 : i32
    %c0_i32_0 = arith.constant 0 : i32
    return %arg0, %c0_i32 : i32, i32
  }
  func.func @transform_10(%arg0: i32) -> (i32, i32) {
    %c0_i32 = arith.constant 0 : i32
    %c0_i32_0 = arith.constant 0 : i32
    return %arg0, %c0_i32 : i32, i32
  }
  func.func @transform_11(%arg0: i32) -> (i32, i32) {
    %c0_i32 = arith.constant 0 : i32
    %c0_i32_0 = arith.constant 0 : i32
    %c0_i32_1 = arith.constant 0 : i32
    return %c0_i32, %c0_i32_0 : i32, i32
  }
  func.func @transform_12(%arg0: i32) -> (i32, i32) {
    %c0_i32 = arith.constant 0 : i32
    %c0_i32_0 = arith.constant 0 : i32
    %c0_i32_1 = arith.constant 0 : i32
    return %c0_i32, %c0_i32_0 : i32, i32
  }
}

</mosaic_0001>

<sc_bundles>
// kernel: kernel.6.cloned.1.call-start
scs
__scs_entry_jumppad:
0x0: {  	(pc) =	sbr.rel $0x88, $3  }
0x1: {  	(tag) =	ssettag $0x0;
	lr =	simm.s32 $0x1  }
0x2: {  	[smem:$0x3F94] =	sst lr;
	_ =	strace $0xD0000000  }
0x3: {  	_ = 	snop  }
0x4: {  	_ = 	snop  }
0x5: {  	_ = 	snop  }
0x6: {  	_ = 	snop  }
0x7: {  	_ = 	snop  }
__scs_overlays_trampoline_lowered:
0x8: {  	[smem:$0x3FA3] =	sst s0  }
0x9: {  	[smem:$0x3FA4] =	sst s1  }
0xa: {  	[smem:$0x3FA5] =	sst s2  }
0xb: {  	[smem:$0x3FA6] =	sst s3  }
0xc: {  	[smem:$0x3FA7] =	sst s4  }
0xd: {  	[smem:$0x3FA8] =	sst s5  }
0xe: {  	[smem:$0x3FA9] =	sst s6  }
0xf: {  	[smem:$0x3FAA] =	sst s7  }
0x10: {  	[smem:$0x3FAB] =	sst s8  }
0x11: {  	[smem:$0x3FAC] =	sst s9;
	s0 =	simm.s32 @!p0 $0x0  }
0x12: {  	s1 =	sld [smem:$0x3F92];
	s0 =	simm.s32 @p0 $0x1  }
0x13: {  	[smem:$0x3FAD] =	sst s0;
	s0 =	simm.s32 @!p1 $0x0  }
0x14: {  	s2 =	sld [smem:$0x3F91];
	s0 =	simm.s32 @p1 $0x1  }
0x15: {  	[smem:$0x3FAE] =	sst s0;
	s0 =	simm.s32 @!p2 $0x0  }
0x16: {  	s3 =	sld [smem:$0x3FDB];
	s0 =	simm.s32 @p2 $0x1  }
0x17: {  	s4 =	simm.s32 $0x1BF5;
	[smem:$0x3FB0] =	sst s0  }
0x18: {  	s0 =	sld [smem:$0x3F93];
	_ =	swait.ge [sflag:s4], $0x0  }
0x19: {  	s7 =	sld [smem:$0x3F94]  }
0x1a: {  	s8 =	sadd.s32 $0xFFFFE003, lr  }
0x1b: {  	s9 =	sadd.s32 $0xFFFFFEF7, lr;
	s5 =	simm.s32 $0xFFFFFFFF;
	p2 =	slt.u32 s8, $0xFFFFF086  }
0x1c: {  	p1 =	slt.u32 s9, $0xF7A;
	s5 =	simm.s32 @!p2 $0x0  }
0x1d: {  	s5 =	simm.s32 @p1 $0x1;
	p0 =	seq.s32 s7, s2  }
0x1e: {  	s7 =	smul.u32 @!p0 $0xF7A, s2;
	p2 =	seq.s32 @!p0 s5, $0x0  }
0x1f: {  	s9 =	smul.u32 $0xF7A, s1;
	s8 =	simm.s32 @!p0 $0x1BF5;
	p2 =	por !p2, p0  }
0x20: {  	[sflag:s8] =	ssyncset.s32 @!p0 $0xFFFFF086;
	s6 =	sadd.s32 @!p0 s3, s7;
	s7 =	simm.s32 @!p0 $0x108  }
0x21: {  	s3 =	sadd.s32 s3, s9;
	s6 =	sadd.s32 @!p0 $0x88, s6;
	s7 =	simm.s32 @p2 $0x1082  }
0x22: {  	[simem:s7], [sflag:s8] =	dma.local @!p0 [hbm:s6], $0xF7A  }
0x23: {  	s9 =	sor.u32 $0xD0000000, s2;
	s6 =	simm.s32 $0x108;
	_ =	swait.ge @!p0 [sflag:s8], $0x0  }
0x24: {  	s3 =	sadd.s32 $0x88, s3;
	s6 =	simm.s32 @!p1 $0x1082;
	[sflag:s4] =	ssyncset.s32 $0xFFFFF086  }
0x25: {  	[simem:s6], [sflag:s4] =	dma.local [hbm:s3], $0xF7A  }
0x26: {  	[smem:$0x3F94] =	sst s1;
	(tag) =	ssettag s2;
	_ =	strace s9  }
0x27: {  	s1 =	sld [smem:$0x3FA4]  }
0x28: {  	s2 =	sld [smem:$0x3FA5]  }
0x29: {  	s4 =	sld [smem:$0x3FA7]  }
0x2a: {  	p0 =	seq.s32 s5, $0x0;
	s5 =	sld [smem:$0x3FA8]  }
0x2b: {  	s6 =	sld [smem:$0x3FA9]  }
0x2c: {  	s7 =	sld [smem:$0x3FAA]  }
0x2d: {  	s3 =	simm.s32 $0x108;
	s8 =	sld [smem:$0x3FAB]  }
0x2e: {  	s3 =	simm.s32 @!p0 $0x1082;
	s9 =	sld [smem:$0x3FAC]  }
0x2f: {  	lr =	sadd.s32 s0, s3;
	s0 =	sld [smem:$0x3FA3]  }
0x30: {  	s3 =	sld [smem:$0x3FA6]  }
0x31: {  	[smem:$0x3FAF] =	sst s10  }
0x32: {  	s10 =	sld [smem:$0x3FAD];
	_ =	sdelay $0x3  }
0x33: {  	p0 =	seq.s32 s10, $0x1;
	s10 =	sld [smem:$0x3FAF];
	_ =	sdelay $0x3  }
0x34: {  	[smem:$0x3FAF] =	sst s10  }
0x35: {  	s10 =	sld [smem:$0x3FAE];
	_ =	sdelay $0x3  }
0x36: {  	p1 =	seq.s32 s10, $0x1;
	s10 =	sld [smem:$0x3FAF];
	_ =	sdelay $0x3  }
0x37: {  	[smem:$0x3FAF] =	sst s10  }
0x38: {  	s10 =	sld [smem:$0x3FB0]  }
0x39: {  	_ = 	snop;
	(pc) =	sbr.ind lr, $3  }
0x3a: {  	_ = 	snop  }
0x3b: {  	_ = 	snop  }
0x3c: {  	p2 =	seq.s32 s10, $0x1;
	s10 =	sld [smem:$0x3FAF]  }
0x3d: {  	_ =	shalt  }
0x3e: {  	_ =	shalt  }
0x3f: {  	_ =	shalt  }
0x40: {  	_ =	shalt  }
0x41: {  	_ =	shalt  }
0x42: {  	_ =	shalt  }
0x43: {  	_ =	shalt  }
0x44: {  	_ =	shalt  }
0x45: {  	_ =	shalt  }
0x46: {  	_ =	shalt  }
0x47: {  	_ =	shalt  }
0x48: {  	_ =	shalt  }
0x49: {  	_ =	shalt  }
0x4a: {  	_ =	shalt  }
0x4b: {  	_ =	shalt  }
0x4c: {  	_ =	shalt  }
0x4d: {  	_ =	shalt  }
0x4e: {  	_ =	shalt  }
0x4f: {  	_ =	shalt  }
0x50: {  	_ =	shalt  }
0x51: {  	_ =	shalt  }
0x52: {  	_ =	shalt  }
0x53: {  	_ =	shalt  }
0x54: {  	_ =	shalt  }
0x55: {  	_ =	shalt  }
0x56: {  	_ =	shalt  }
0x57: {  	_ =	shalt  }
0x58: {  	_ =	shalt  }
0x59: {  	_ =	shalt  }
0x5a: {  	_ =	shalt  }
0x5b: {  	_ =	shalt  }
0x5c: {  	_ =	shalt  }
0x5d: {  	_ =	shalt  }
0x5e: {  	_ =	shalt  }
0x5f: {  	_ =	shalt  }
0x60: {  	_ =	shalt  }
0x61: {  	_ =	shalt  }
0x62: {  	_ =	shalt  }
0x63: {  	_ =	shalt  }
0x64: {  	_ =	shalt  }
0x65: {  	_ =	shalt  }
0x66: {  	_ =	shalt  }
0x67: {  	_ =	shalt  }
0x68: {  	_ =	shalt  }
0x69: {  	_ =	shalt  }
0x6a: {  	_ =	shalt  }
0x6b: {  	_ =	shalt  }
0x6c: {  	_ =	shalt  }
0x6d: {  	_ =	shalt  }
0x6e: {  	_ =	shalt  }
0x6f: {  	_ =	shalt  }
0x70: {  	_ =	shalt  }
0x71: {  	_ =	shalt  }
0x72: {  	_ =	shalt  }
0x73: {  	_ =	shalt  }
0x74: {  	_ =	shalt  }
0x75: {  	_ =	shalt  }
0x76: {  	_ =	shalt  }
0x77: {  	_ =	shalt  }
0x78: {  	_ =	shalt  }
0x79: {  	_ =	shalt  }
0x7a: {  	_ =	shalt  }
0x7b: {  	_ =	shalt  }
0x7c: {  	_ =	shalt  }
0x7d: {  	_ =	shalt  }
0x7e: {  	_ =	shalt  }
0x7f: {  	_ =	shalt  }
0x80: {  	_ =	shalt  }
0x81: {  	_ =	shalt  }
0x82: {  	_ =	shalt  }
0x83: {  	_ =	shalt  }
0x84: {  	_ =	shalt  }
0x85: {  	_ =	shalt  }
0x86: {  	_ =	shalt  }
0x87: {  	_ =	shalt  }
.Lfunc_end0:
.L_simem_size_0:
called_computation_lowered:
.L_overlay_start_0:
0x88: {  	s2 =	sld [smem:$0x3FD9]  }
0x89: {  	s3 =	sld [smem:$0x3FFE];
	_ =	sdelay $0x1  }
0x8a: {  	s1 =	srdreg.scid  }
0x8b: {  	s0 =	sand.u32 $0x1, s1  }
0x8c: {  	s16 =	sshll.u32 s0, $0xA;
	s2 =	sadd.s32 s3, s2  }
0x8d: {  	s2 =	sadd.s32 s2, s16  }
0x8e: {  	[smem:$0x3FBB] =	sst s2  }
0x8f: {  	_ = 	snop  }
0x90: {  	(tm) =	ssettm $0x1  }
0x91: {  	s17 =	sld [smem:$0x3FFB];
	_ =	sdelay $0x3  }
0x92: {  	_ =	strace s17  }
0x93: {  	s2 =	sld [smem:$0x3FFC];
	_ =	sdelay $0x3  }
0x94: {  	_ =	strace s2  }
0x95: {  	s2 =	sld [smem:$0x3FFD];
	_ =	sdelay $0x3  }
0x96: {  	_ =	strace s2  }
0x97: {  	_ =	strace $0x8FFFFFFF  }
0x98: {  	s18 =	sld [smem:$0x3FDB];
	_ =	sdelay $0x1  }
0x99: {  	s19 =	simm.s32 $_scs_section_size  }
0x9a: {  	s4 =	simm.s32 $_size__tile_overlayer_lowered;
	s5 =	simm.s32 $_tile_overlayer_lowered  }
0x9b: {  	s22 =	simm.s32 $0x1BFF;
	s21 =	sshll.u32 s5, $0x1;
	s2 =	sadd.s32 s19, s18  }
0x9c: {  	s6 =	simm.s32 $0x0;
	s20 =	sshll.u32 s4, $0x1;
	s4 =	sadd.s32 s21, s2  }
0x9d: {  	[timem:s6], [sflag:s22] =	dma.local [hbm:s4], s20  }
0x9e: {  	_ =	swait.ge [sflag:s22], s20  }
0x9f: {  	s3 =	ssub.s32 $0x0, s20;
	[sflag:s22] =	ssyncset.done $0x0  }
0xa0: {  	[sflag:s22] =	ssyncadd.s32 s3;
	_ =	sdelay $0x1  }
0xa1: {  	s23 =	simm.s32 $0x1B8B  }
0xa2: {  	_ =	swait.ge [sflag:s23], $0x1  }
0xa3: {  	[sflag:s23] =	ssyncset.done $0x0  }
0xa4: {  	s25 =	simm.s32 $0x1B8E;
	s24 =	sld [smem:$0x3FFE];
	[sflag:s23] =	ssyncadd.s32 $0xFFFFFFFF  }
0xa5: {  	s26 =	simm.s32 $execute0_lowered;
	[smem:$0x3FD2] =	sst s25  }
0xa6: {  	s4 =	sshll.u32 s26, $0x1;
	_ =	strace $0x80000046;
	[dreg:$0x1] =	wrdreg $0xFFFFFFFF  }
0xa7: {  	s28 =	simm.s32 $_size_execute0_lowered;
	s2 =	sadd.s32 s2, s4;
	[dreg:$0x0] =	wrdreg $0x0  }
0xa8: {  	s4 =	sshll.u32 s28, $0x1;
	[dreg:$0x2] =	wrdreg s2  }
0xa9: {  	[dreg:$0x3] =	wrdreg s4  }
0xaa: {  	[dreg:$0x4] =	wrdreg $0xC0  }
0xab: {  	_ =	task [dreg:s6], $0x5FFFF  }
0xac: {  	[dreg:$0x1] =	wrdreg $0xFFFFFFFF  }
0xad: {  	[dreg:$0x0] =	wrdreg $0x60  }
0xae: {  	[dreg:$0x2] =	wrdreg s24  }
0xaf: {  	[dreg:$0x3] =	wrdreg $0xBB800  }
0xb0: {  	[dreg:$0x4] =	wrdreg $0x9  }
0xb1: {  	_ =	task.clear_ibuf [dreg:s6], $0x5FFFF;
	_ =	strace $0x90000046  }
0xb2: {  	s29 =	simm.s32 $0x9;
	_ =	strace $0x80000048  }
0xb3: {  	_ =	swait.ge [sflag:s29], $0x1  }
0xb4: {  	[sflag:s29] =	ssyncadd.s32 $0xFFFFFFFF  }
0xb5: {  	_ =	strace $0x90000048  }
0xb6: {  	_ =	sfence  }
0xb7: {  	s30 =	sld [smem:$0x0];
	_ =	sdelay $0x2  }
0xb8: {  	s31 =	sshll.u32 s1, $0xD;
	s1 =	sshrl.u32 s1, $0x2  }
0xb9: {  	s3 =	sand.u32 $0x4000, s31;
	s1 =	sadd.s32 s1, s30  }
0xba: {  	s0 =	sor.u32 s3, s0;
	s1 =	sshll.u32 s1, $0x11  }
0xbb: {  	s0 =	sor.u32 s1, s0  }
0xbc: {  	s0 =	sadd.s32 $0x8F2B, s0  }
0xbd: {  	[sflag:s0] =	ssyncadd.remote.s32 $0x1  }
0xbe: {  	_ =	sfence.sel $0xFFFF  }
0xbf: {  	[dreg:$0x0] =	wrdreg $0xFFFFFFFF;
	(pc) =	sbr.abs _section_cstart, $3  }
0xc0: {  	[dreg:$0x1] =	wrdreg $0xFFFFFFFF  }
0xc1: {  	_ =	task.clear_ibuf [dreg:s6], $0x2FFFF;
	_ =	strace $0x9FFFFFFF  }
0xc2: {  	(tm) =	ssettm $0x7FFFFFFF  }
0xc3: {  	_ =	shalt  }
tec
execute0_lowered:
.L_overlay_start_1:
0x0: {  	(tag) =	ssettag $0x1  }
0x1: {  	s1 =	srdreg.scid;
	s6 =	rddreg [dreg:$0x0]  }
0x2: {  	s0 =	stileid.u32;
	s2 =	rddreg [dreg:$0x1];
	s3 =	simm.s32 $0x0  }
0x3: {  	s17 =	simm.s32 $0x2A00;
	s18 =	simm.s32 $0x5B80;
	s19 =	simm.s32 $0x2A80  }
0x4: {  	s20 =	simm.s32 $0x7;
	s21 =	simm.s32 $0x0;
	s10 =	smul.u32 $0x14000, s0  }
0x5: {  	s7 =	sand.u32 $0x1, s1;
	s1 =	rddreg [dreg:$0x2];
	s25 =	smul.u32 $0x50000, s0  }
0x6: {  	s24 =	sshll.u32 s0, $0x1;
	[smem:$0x7FF] =	sst s3;
	s14 =	smul.u32 $0xE0, s0  }
0x7: {  	s4 =	sadd.s32 $0x1B800, s6;
	s12 =	sadd.s32 $0xD800, s6;
	s9 =	smul.u32 $0x140000, s7  }
0x8: {  	s8 =	sor.u32 s7, s24;
	s13 =	ssub.s32 $0x2, s7;
	s7 =	smul.u32 $0x70, s7  }
0x9: {  	s29 =	sshll.u32 s0, $0x6;
	_ =	strace $0x80000047;
	s5 =	smul.u32 $0x540, s8  }
0xa: {  	s26 =	sshrl.u32 s13, $0x1;
	s28 =	sshrl.u32 s25, $0x2;
	s8 =	smul.u32 $0x700, s8  }
0xb: {  	s9 =	sadd.s32 s10, s9;
	s13 =	ssub.s32 s13, s26;
	s16 =	sadd.s32 s28, s2  }
0xc: {  	s30 =	sadd.s32 s7, s14;
	s14 =	simm.s32 $0xA;
	s11 =	sadd.s32 s5, s6  }
0xd: {  	s5 =	sadd.s32 $0x43800, s6;
	s9 =	sshrl.u32 s9, $0x3;
	s7 =	sadd.s32 s12, s8  }
0xe: {  	s31 =	sshll.u32 s30, $0x4;
	s15 =	sadd.s32 s9, s6;
	s6 =	sor.u32 $0x1C0A, s29  }
0xf: {  	s8 =	sadd.s32 $0x3000, s11;
	s9 =	sadd.s32 $0x10, s7;
	s12 =	sadd.s32 s31, s12  }
0x10: {  	s11 =	smax.u32 s13, $0x1;
	s13 =	sshrl.u32 s16, $0x3;
	s16 =	simm.s32 $0x2B80  }
0x11: {  	s10 =	sadd.s32 $0x46000, s15;
	s12 =	sadd.s32 $0x20, s12;
	s15 =	simm.s32 $0x60  }
.LBB2_1:
0x12: {  	[spmem:s13], [sflag:s6] =	dma.local [hbm:s5], $0x2800  }
0x13: {  	_ =	swait.ge [sflag:s14], $0x2800  }
0x14: {  	[sflag:s14] =	ssyncset.done $0x0  }
0x15: {  	[sflag:s14] =	ssyncadd.s32 $0xFFFFD800  }
0x16: {  	[tilespmem:s3], [sflag:$0xA] =	stream.linear.gather [hbm4b:s8+s3], $0x2A00, $0x38;
	[tilespmem:$0x1FB80] =	vst v63  }
0x17: {  	_ =	swait.ge [sflag:s14], $0x2A00  }
0x18: {  	[sflag:s14] =	ssyncset.done $0x0  }
0x19: {  	[sflag:s14] =	ssyncadd.s32 $0xFFFFD600  }
0x1a: {  	[bflag:$0x0] =	sbarrier.arrive $0xFFFF  }
0x1b: {  	[tilespmem:s16], [sflag:$0x1] =	stream.indirect.gather [hbm4b:s4+s15], $0x80, s3, s15, $0xb8;
	[tilespmem:$0x1FB80] =	vst v63  }
0x1c: {  	_ = 	snop  }
0x1d: {  	[tilespmem:s17], [sflag:$0x4] =	stream.linear.gather [hbm4b:s7+s3], $0x80, $0x38;
	[tilespmem:$0x1FB80] =	vst v63  }
0x1e: {  	_ = 	snop  }
0x1f: {  	[tilespmem:s18], [sflag:$0x2] =	stream.indirect.gather [hbm4b:s4+s15], $0x80, s15, s15, $0xb8;
	[tilespmem:$0x1FB80] =	vst v63  }
0x20: {  	s22 =	simm.s32 $0xC0;
	s23 =	smov.u32 s12;
	s24 =	simm.s32 $0x0  }
0x21: {  	[tilespmem:s19], [sflag:$0x5] =	stream.linear.gather [hbm4b:s9+s3], $0x80, $0x38;
	[tilespmem:$0x1FB80] =	vst v63  }
.LBB2_2:
0x22: {  	s25 =	smul.u32 $0xAB, s24;
	_ =	sdelay $0x1  }
0x23: {  	s26 =	sshrl.u32 s25, $0x9  }
0x24: {  	s26 =	sand.u32 $0x7F, s26  }
0x25: {  	s26 =	smul.u32 $0x3, s26  }
0x26: {  	s25 =	sadd.s32 $0x156, s25  }
0x27: {  	s25 =	sshrl.u32 s25, $0x9;
	s26 =	ssub.s32 s24, s26  }
0x28: {  	s25 =	sand.u32 $0x7F, s25;
	s26 =	sand.u32 $0xFF, s26  }
0x29: {  	s25 =	smul.u32 $0x3, s25;
	s28 =	sadd.s32 $0x1, s26  }
0x2a: {  	p0 =	seq.s32 s24, $0x0;
	_ =	swait.ge [sflag:s28], $0x3000  }
0x2b: {  	s25 =	ssub.s32 s24, s25;
	s29 =	smul.u32 $0xC000, s26;
	[sflag:s28] =	ssyncset.done $0x0  }
0x2c: {  	s31 =	sor.u32 $0x4, s26;
	s25 =	sadd.s32 $0x2, s25;
	[sflag:s28] =	ssyncadd.s32 $0xFFFFD000  }
0x2d: {  	s30 =	sshll.u32 s26, $0x7;
	s26 =	sadd.s32 $0x7, s26;
	_ =	swait.ge [sflag:s31], $0x80  }
0x2e: {  	s30 =	sor.u32 $0x2A00, s30;
	s29 =	sshrl.u32 s29, $0x2;
	[sflag:s31] =	ssyncset.done $0x0  }
0x2f: {  	s25 =	sand.u32 $0xFF, s25;
	s29 =	sadd.s32 $0x2B80, s29;
	[sflag:s31] =	ssyncadd.s32 $0xFFFFFF80  }
0x30: {  	[spmem:s2] =	stream.indirect.scatter.add.f32 [tilespmem:s29], [sflag:s26], $0x80, s30, s15, $0xb8;
	[tilespmem:$0x1FB80] =	vst v63  }
0x31: {  	s26 =	sadd.s32 @!p0 $0x7, s25  }
0x32: {  	p1 =	sgt.u32 @!p0 s24, $0x6D;
	_ =	swait.ge @!p0 [sflag:s26], $0x3000  }
0x33: {  	p1 =	por p0, !p1;
	[sflag:s26] =	ssyncset.done @!p0 $0x0  }
0x34: {  	[sflag:s26] =	ssyncadd.s32 @!p0 $0xFFFFD000;
	s26 =	smul.u32 @p1 $0xC000, s25;
	_ =	sdelay $0x1  }
0x35: {  	s24 =	sadd.s32 $0x1, s24;
	s26 =	sshrl.u32 @p1 s26, $0x2  }
0x36: {  	s28 =	sadd.s32 @p1 $0x1, s25;
	p0 =	sne.s32 s24, $0x70;
	s26 =	sadd.s32 @p1 $0x2B80, s26  }
0x37: {  	[tilespmem:s26], [sflag:s28] =	stream.indirect.gather @p1 [hbm4b:s4+s15], $0x80, s22, s15, $0xb8;
	[tilespmem:$0x1FB80] =	vst v63  }
.Ltmp0:
0x38: {  	_ = 	snop;
	(pc) =	sbr.rel @p0 .LBB2_2-.Ltmp0, $4  }
0x39: {  	s26 =	sshll.u32 @p1 s25, $0x7  }
0x3a: {  	s25 =	sadd.s32 @p1 $0x4, s25;
	s26 =	sadd.s32 @p1 $0x2A00, s26  }
0x3b: {  	[tilespmem:s26], [sflag:s25] =	stream.linear.gather @p1 [hbm4b:s23+s3], $0x80, $0x38;
	[tilespmem:$0x1FB80] =	vst v63  }
0x3c: {  	s22 =	sadd.s32 $0x60, s22;
	s23 =	sadd.s32 $0x10, s23  }
0x3d: {  	_ =	swait.ge [sflag:s20], $0x3000  }
0x3e: {  	s21 =	sadd.s32 $0x1, s21;
	[sflag:s20] =	ssyncset.done $0x0  }
0x3f: {  	p0 =	sne.s32 s21, s11;
	[sflag:s20] =	ssyncadd.s32 $0xFFFFD000  }
.Ltmp1:
0x40: {  	[bflag:$0x0] =	sbarrier.arrive $0xFFFF;
	(pc) =	sbr.rel @p0 .LBB2_1-.Ltmp1, $4  }
0x41: {  	[hbm:s10], [sflag:s6] =	dma.local [spmem:s13], $0x2800  }
0x42: {  	_ =	swait.ge [sflag:s14], $0x2800  }
0x43: {  	[sflag:s14] =	ssyncset.done $0x0  }
0x44: {  	[sflag:s14] =	ssyncadd.s32 $0xFFFFD800  }
0x45: {  	_ =	sfence.sel $0x180000  }
0x46: {  	[bflag:$0x0] =	sbarrier.arrive $0xFFFF  }
0x47: {  	p0 =	sne.s32 s0, $0x0;
	_ =	strace $0x90000047  }
0x48: {  	s0 =	sadd.s32 @!p0 $0x100000, s1;
	[bflag:$0x2] =	sbarrier.arrive $0xFFFF  }
0x49: {  	[sflag:s0] =	ssyncadd.tile.s32 @!p0 $0x1;
	_ =	shalt  }
.Lfunc_end2:
_tile_overlayer_lowered:
.L_overlay_start_2:
0x4a: {  	(tag) =	ssettag $0x2  }
0x4b: {  	s0 =	rddreg [dreg:$0x0];
	s2 =	stileid.u32  }
0x4c: {  	s1 =	rddreg [dreg:$0x1];
	p0 =	sne.s32 s2, $0x0  }
0x4d: {  	s3 =	rddreg [dreg:$0x2];
	[bflag:$0x3] =	sbarrier.arrive $0xFFFF;
	s2 =	simm.s32 @!p0 $0x1C0A  }
0x4e: {  	[timem:s3], [sflag:s2] =	dma.local @!p0 [hbm:s0], s1  }
0x4f: {  	s0 =	simm.s32 @!p0 $0xA  }
0x50: {  	_ =	swait.ge @!p0 [sflag:s0], s1  }
0x51: {  	s1 =	ssub.s32 @!p0 $0x0, s1;
	[sflag:s0] =	ssyncset.done @!p0 $0x0  }
0x52: {  	[sflag:s0] =	ssyncadd.s32 @!p0 s1  }
0x53: {  	[bflag:$0x3] =	sbarrier.arrive $0xFFFF  }
0x54: {  	_ =	shalt  }

// kernel: kernel.9.cloned.1.call-start
scs
__scs_entry_jumppad:
0x0: {  	(pc) =	sbr.rel $0x88, $3  }
0x1: {  	(tag) =	ssettag $0x0;
	lr =	simm.s32 $0x1  }
0x2: {  	[smem:$0x3F94] =	sst lr;
	_ =	strace $0xD0000000  }
0x3: {  	_ = 	snop  }
0x4: {  	_ = 	snop  }
0x5: {  	_ = 	snop  }
0x6: {  	_ = 	snop  }
0x7: {  	_ = 	snop  }
__scs_overlays_trampoline_lowered:
0x8: {  	[smem:$0x3FA3] =	sst s0  }
0x9: {  	[smem:$0x3FA4] =	sst s1  }
0xa: {  	[smem:$0x3FA5] =	sst s2  }
0xb: {  	[smem:$0x3FA6] =	sst s3  }
0xc: {  	[smem:$0x3FA7] =	sst s4  }
0xd: {  	[smem:$0x3FA8] =	sst s5  }
0xe: {  	[smem:$0x3FA9] =	sst s6  }
0xf: {  	[smem:$0x3FAA] =	sst s7  }
0x10: {  	[smem:$0x3FAB] =	sst s8  }
0x11: {  	[smem:$0x3FAC] =	sst s9;
	s0 =	simm.s32 @!p0 $0x0  }
0x12: {  	s1 =	sld [smem:$0x3F92];
	s0 =	simm.s32 @p0 $0x1  }
0x13: {  	[smem:$0x3FAD] =	sst s0;
	s0 =	simm.s32 @!p1 $0x0  }
0x14: {  	s2 =	sld [smem:$0x3F91];
	s0 =	simm.s32 @p1 $0x1  }
0x15: {  	[smem:$0x3FAE] =	sst s0;
	s0 =	simm.s32 @!p2 $0x0  }
0x16: {  	s3 =	sld [smem:$0x3FDB];
	s0 =	simm.s32 @p2 $0x1  }
0x17: {  	s4 =	simm.s32 $0x1BF5;
	[smem:$0x3FB0] =	sst s0  }
0x18: {  	s0 =	sld [smem:$0x3F93];
	_ =	swait.ge [sflag:s4], $0x0  }
0x19: {  	s7 =	sld [smem:$0x3F94]  }
0x1a: {  	s8 =	sadd.s32 $0xFFFFE003, lr  }
0x1b: {  	s9 =	sadd.s32 $0xFFFFFEF7, lr;
	s5 =	simm.s32 $0xFFFFFFFF;
	p2 =	slt.u32 s8, $0xFFFFF086  }
0x1c: {  	p1 =	slt.u32 s9, $0xF7A;
	s5 =	simm.s32 @!p2 $0x0  }
0x1d: {  	s5 =	simm.s32 @p1 $0x1;
	p0 =	seq.s32 s7, s2  }
0x1e: {  	s7 =	smul.u32 @!p0 $0xF7A, s2;
	p2 =	seq.s32 @!p0 s5, $0x0  }
0x1f: {  	s9 =	smul.u32 $0xF7A, s1;
	s8 =	simm.s32 @!p0 $0x1BF5;
	p2 =	por !p2, p0  }
0x20: {  	[sflag:s8] =	ssyncset.s32 @!p0 $0xFFFFF086;
	s6 =	sadd.s32 @!p0 s3, s7;
	s7 =	simm.s32 @!p0 $0x108  }
0x21: {  	s3 =	sadd.s32 s3, s9;
	s6 =	sadd.s32 @!p0 $0x88, s6;
	s7 =	simm.s32 @p2 $0x1082  }
0x22: {  	[simem:s7], [sflag:s8] =	dma.local @!p0 [hbm:s6], $0xF7A  }
0x23: {  	s9 =	sor.u32 $0xD0000000, s2;
	s6 =	simm.s32 $0x108;
	_ =	swait.ge @!p0 [sflag:s8], $0x0  }
0x24: {  	s3 =	sadd.s32 $0x88, s3;
	s6 =	simm.s32 @!p1 $0x1082;
	[sflag:s4] =	ssyncset.s32 $0xFFFFF086  }
0x25: {  	[simem:s6], [sflag:s4] =	dma.local [hbm:s3], $0xF7A  }
0x26: {  	[smem:$0x3F94] =	sst s1;
	(tag) =	ssettag s2;
	_ =	strace s9  }
0x27: {  	s1 =	sld [smem:$0x3FA4]  }
0x28: {  	s2 =	sld [smem:$0x3FA5]  }
0x29: {  	s4 =	sld [smem:$0x3FA7]  }
0x2a: {  	p0 =	seq.s32 s5, $0x0;
	s5 =	sld [smem:$0x3FA8]  }
0x2b: {  	s6 =	sld [smem:$0x3FA9]  }
0x2c: {  	s7 =	sld [smem:$0x3FAA]  }
0x2d: {  	s3 =	simm.s32 $0x108;
	s8 =	sld [smem:$0x3FAB]  }
0x2e: {  	s3 =	simm.s32 @!p0 $0x1082;
	s9 =	sld [smem:$0x3FAC]  }
0x2f: {  	lr =	sadd.s32 s0, s3;
	s0 =	sld [smem:$0x3FA3]  }
0x30: {  	s3 =	sld [smem:$0x3FA6]  }
0x31: {  	[smem:$0x3FAF] =	sst s10  }
0x32: {  	s10 =	sld [smem:$0x3FAD];
	_ =	sdelay $0x3  }
0x33: {  	p0 =	seq.s32 s10, $0x1;
	s10 =	sld [smem:$0x3FAF];
	_ =	sdelay $0x3  }
0x34: {  	[smem:$0x3FAF] =	sst s10  }
0x35: {  	s10 =	sld [smem:$0x3FAE];
	_ =	sdelay $0x3  }
0x36: {  	p1 =	seq.s32 s10, $0x1;
	s10 =	sld [smem:$0x3FAF];
	_ =	sdelay $0x3  }
0x37: {  	[smem:$0x3FAF] =	sst s10  }
0x38: {  	s10 =	sld [smem:$0x3FB0]  }
0x39: {  	_ = 	snop;
	(pc) =	sbr.ind lr, $3  }
0x3a: {  	_ = 	snop  }
0x3b: {  	_ = 	snop  }
0x3c: {  	p2 =	seq.s32 s10, $0x1;
	s10 =	sld [smem:$0x3FAF]  }
0x3d: {  	_ =	shalt  }
0x3e: {  	_ =	shalt  }
0x3f: {  	_ =	shalt  }
0x40: {  	_ =	shalt  }
0x41: {  	_ =	shalt  }
0x42: {  	_ =	shalt  }
0x43: {  	_ =	shalt  }
0x44: {  	_ =	shalt  }
0x45: {  	_ =	shalt  }
0x46: {  	_ =	shalt  }
0x47: {  	_ =	shalt  }
0x48: {  	_ =	shalt  }
0x49: {  	_ =	shalt  }
0x4a: {  	_ =	shalt  }
0x4b: {  	_ =	shalt  }
0x4c: {  	_ =	shalt  }
0x4d: {  	_ =	shalt  }
0x4e: {  	_ =	shalt  }
0x4f: {  	_ =	shalt  }
0x50: {  	_ =	shalt  }
0x51: {  	_ =	shalt  }
0x52: {  	_ =	shalt  }
0x53: {  	_ =	shalt  }
0x54: {  	_ =	shalt  }
0x55: {  	_ =	shalt  }
0x56: {  	_ =	shalt  }
0x57: {  	_ =	shalt  }
0x58: {  	_ =	shalt  }
0x59: {  	_ =	shalt  }
0x5a: {  	_ =	shalt  }
0x5b: {  	_ =	shalt  }
0x5c: {  	_ =	shalt  }
0x5d: {  	_ =	shalt  }
0x5e: {  	_ =	shalt  }
0x5f: {  	_ =	shalt  }
0x60: {  	_ =	shalt  }
0x61: {  	_ =	shalt  }
0x62: {  	_ =	shalt  }
0x63: {  	_ =	shalt  }
0x64: {  	_ =	shalt  }
0x65: {  	_ =	shalt  }
0x66: {  	_ =	shalt  }
0x67: {  	_ =	shalt  }
0x68: {  	_ =	shalt  }
0x69: {  	_ =	shalt  }
0x6a: {  	_ =	shalt  }
0x6b: {  	_ =	shalt  }
0x6c: {  	_ =	shalt  }
0x6d: {  	_ =	shalt  }
0x6e: {  	_ =	shalt  }
0x6f: {  	_ =	shalt  }
0x70: {  	_ =	shalt  }
0x71: {  	_ =	shalt  }
0x72: {  	_ =	shalt  }
0x73: {  	_ =	shalt  }
0x74: {  	_ =	shalt  }
0x75: {  	_ =	shalt  }
0x76: {  	_ =	shalt  }
0x77: {  	_ =	shalt  }
0x78: {  	_ =	shalt  }
0x79: {  	_ =	shalt  }
0x7a: {  	_ =	shalt  }
0x7b: {  	_ =	shalt  }
0x7c: {  	_ =	shalt  }
0x7d: {  	_ =	shalt  }
0x7e: {  	_ =	shalt  }
0x7f: {  	_ =	shalt  }
0x80: {  	_ =	shalt  }
0x81: {  	_ =	shalt  }
0x82: {  	_ =	shalt  }
0x83: {  	_ =	shalt  }
0x84: {  	_ =	shalt  }
0x85: {  	_ =	shalt  }
0x86: {  	_ =	shalt  }
0x87: {  	_ =	shalt  }
.Lfunc_end0:
.L_simem_size_0:
called_computation.1_lowered:
.L_overlay_start_0:
0x88: {  	s2 =	sld [smem:$0x3FD9]  }
0x89: {  	s3 =	sld [smem:$0x3FFE];
	_ =	sdelay $0x1  }
0x8a: {  	s1 =	srdreg.scid  }
0x8b: {  	s0 =	sand.u32 $0x1, s1  }
0x8c: {  	s16 =	sshll.u32 s0, $0xA;
	s2 =	sadd.s32 s3, s2  }
0x8d: {  	s2 =	sadd.s32 s2, s16  }
0x8e: {  	[smem:$0x3FBB] =	sst s2  }
0x8f: {  	_ = 	snop  }
0x90: {  	(tm) =	ssettm $0x1  }
0x91: {  	s17 =	sld [smem:$0x3FFB];
	_ =	sdelay $0x3  }
0x92: {  	_ =	strace s17  }
0x93: {  	s2 =	sld [smem:$0x3FFC];
	_ =	sdelay $0x3  }
0x94: {  	_ =	strace s2  }
0x95: {  	s2 =	sld [smem:$0x3FFD];
	_ =	sdelay $0x3  }
0x96: {  	_ =	strace s2  }
0x97: {  	_ =	strace $0x8FFFFFFF  }
0x98: {  	s18 =	sld [smem:$0x3FDB];
	_ =	sdelay $0x1  }
0x99: {  	s19 =	simm.s32 $_scs_section_size  }
0x9a: {  	s4 =	simm.s32 $_size__tile_overlayer_lowered;
	s5 =	simm.s32 $_tile_overlayer_lowered  }
0x9b: {  	s22 =	simm.s32 $0x1BFF;
	s21 =	sshll.u32 s5, $0x1;
	s2 =	sadd.s32 s19, s18  }
0x9c: {  	s6 =	simm.s32 $0x0;
	s20 =	sshll.u32 s4, $0x1;
	s4 =	sadd.s32 s21, s2  }
0x9d: {  	[timem:s6], [sflag:s22] =	dma.local [hbm:s4], s20  }
0x9e: {  	_ =	swait.ge [sflag:s22], s20  }
0x9f: {  	s3 =	ssub.s32 $0x0, s20;
	[sflag:s22] =	ssyncset.done $0x0  }
0xa0: {  	[sflag:s22] =	ssyncadd.s32 s3;
	_ =	sdelay $0x1  }
0xa1: {  	s23 =	simm.s32 $0x1B8B  }
0xa2: {  	_ =	swait.ge [sflag:s23], $0x1  }
0xa3: {  	[sflag:s23] =	ssyncset.done $0x0  }
0xa4: {  	s25 =	simm.s32 $0x1B8E;
	s24 =	sld [smem:$0x3FFE];
	[sflag:s23] =	ssyncadd.s32 $0xFFFFFFFF  }
0xa5: {  	s26 =	simm.s32 $execute0_lowered;
	[smem:$0x3FD2] =	sst s25  }
0xa6: {  	s4 =	sshll.u32 s26, $0x1;
	_ =	strace $0x80000049;
	[dreg:$0x1] =	wrdreg $0xFFFFFFFF  }
0xa7: {  	s28 =	simm.s32 $_size_execute0_lowered;
	s2 =	sadd.s32 s2, s4;
	[dreg:$0x0] =	wrdreg $0x0  }
0xa8: {  	s4 =	sshll.u32 s28, $0x1;
	[dreg:$0x2] =	wrdreg s2  }
0xa9: {  	[dreg:$0x3] =	wrdreg s4  }
0xaa: {  	[dreg:$0x4] =	wrdreg $0xC0  }
0xab: {  	_ =	task [dreg:s6], $0x5FFFF  }
0xac: {  	[dreg:$0x1] =	wrdreg $0xFFFFFFFF  }
0xad: {  	[dreg:$0x0] =	wrdreg $0x60  }
0xae: {  	[dreg:$0x2] =	wrdreg s24  }
0xaf: {  	[dreg:$0x3] =	wrdreg $0xBB800  }
0xb0: {  	[dreg:$0x4] =	wrdreg $0x9  }
0xb1: {  	_ =	task.clear_ibuf [dreg:s6], $0x5FFFF;
	_ =	strace $0x90000049  }
0xb2: {  	s29 =	simm.s32 $0x9;
	_ =	strace $0x8000004B  }
0xb3: {  	_ =	swait.ge [sflag:s29], $0x1  }
0xb4: {  	[sflag:s29] =	ssyncadd.s32 $0xFFFFFFFF  }
0xb5: {  	_ =	strace $0x9000004B  }
0xb6: {  	_ =	sfence  }
0xb7: {  	s30 =	sld [smem:$0x0];
	_ =	sdelay $0x2  }
0xb8: {  	s31 =	sshll.u32 s1, $0xD;
	s1 =	sshrl.u32 s1, $0x2  }
0xb9: {  	s3 =	sand.u32 $0x4000, s31;
	s1 =	sadd.s32 s1, s30  }
0xba: {  	s0 =	sor.u32 s3, s0;
	s1 =	sshll.u32 s1, $0x11  }
0xbb: {  	s0 =	sor.u32 s1, s0  }
0xbc: {  	s0 =	sadd.s32 $0x8F2B, s0  }
0xbd: {  	[sflag:s0] =	ssyncadd.remote.s32 $0x1  }
0xbe: {  	_ =	sfence.sel $0xFFFF  }
0xbf: {  	[dreg:$0x0] =	wrdreg $0xFFFFFFFF;
	(pc) =	sbr.abs _section_cstart, $3  }
0xc0: {  	[dreg:$0x1] =	wrdreg $0xFFFFFFFF  }
0xc1: {  	_ =	task.clear_ibuf [dreg:s6], $0x2FFFF;
	_ =	strace $0x9FFFFFFF  }
0xc2: {  	(tm) =	ssettm $0x7FFFFFFF  }
0xc3: {  	_ =	shalt  }
tec
execute0_lowered:
.L_overlay_start_1:
0x0: {  	(tag) =	ssettag $0x1  }
0x1: {  	s1 =	srdreg.scid;
	s6 =	rddreg [dreg:$0x0]  }
0x2: {  	s0 =	stileid.u32;
	s2 =	rddreg [dreg:$0x1];
	s3 =	simm.s32 $0x0  }
0x3: {  	s17 =	simm.s32 $0x2A00;
	s18 =	simm.s32 $0x5B80;
	s19 =	simm.s32 $0x2A80  }
0x4: {  	s20 =	simm.s32 $0x7;
	s21 =	simm.s32 $0x0;
	s10 =	smul.u32 $0x14000, s0  }
0x5: {  	s7 =	sand.u32 $0x1, s1;
	s1 =	rddreg [dreg:$0x2];
	s25 =	smul.u32 $0x50000, s0  }
0x6: {  	s24 =	sshll.u32 s0, $0x1;
	[smem:$0x7FF] =	sst s3;
	s14 =	smul.u32 $0xE0, s0  }
0x7: {  	s4 =	sadd.s32 $0x1B800, s6;
	s12 =	sadd.s32 $0xD800, s6;
	s9 =	smul.u32 $0x140000, s7  }
0x8: {  	s8 =	sor.u32 s7, s24;
	s13 =	ssub.s32 $0x2, s7;
	s7 =	smul.u32 $0x70, s7  }
0x9: {  	s29 =	sshll.u32 s0, $0x6;
	_ =	strace $0x8000004A;
	s5 =	smul.u32 $0x540, s8  }
0xa: {  	s26 =	sshrl.u32 s13, $0x1;
	s28 =	sshrl.u32 s25, $0x2;
	s8 =	smul.u32 $0x700, s8  }
0xb: {  	s9 =	sadd.s32 s10, s9;
	s13 =	ssub.s32 s13, s26;
	s16 =	sadd.s32 s28, s2  }
0xc: {  	s30 =	sadd.s32 s7, s14;
	s14 =	simm.s32 $0xA;
	s11 =	sadd.s32 s5, s6  }
0xd: {  	s5 =	sadd.s32 $0x43800, s6;
	s9 =	sshrl.u32 s9, $0x3;
	s7 =	sadd.s32 s12, s8  }
0xe: {  	s31 =	sshll.u32 s30, $0x4;
	s15 =	sadd.s32 s9, s6;
	s6 =	sor.u32 $0x1C0A, s29  }
0xf: {  	s8 =	sadd.s32 $0x3000, s11;
	s9 =	sadd.s32 $0x10, s7;
	s12 =	sadd.s32 s31, s12  }
0x10: {  	s11 =	smax.u32 s13, $0x1;
	s13 =	sshrl.u32 s16, $0x3;
	s16 =	simm.s32 $0x2B80  }
0x11: {  	s10 =	sadd.s32 $0x46000, s15;
	s12 =	sadd.s32 $0x20, s12;
	s15 =	simm.s32 $0x60  }
.LBB2_1:
0x12: {  	[spmem:s13], [sflag:s6] =	dma.local [hbm:s5], $0x2800  }
0x13: {  	_ =	swait.ge [sflag:s14], $0x2800  }
0x14: {  	[sflag:s14] =	ssyncset.done $0x0  }
0x15: {  	[sflag:s14] =	ssyncadd.s32 $0xFFFFD800  }
0x16: {  	[tilespmem:s3], [sflag:$0xA] =	stream.linear.gather [hbm4b:s8+s3], $0x2A00, $0x38;
	[tilespmem:$0x1FB80] =	vst v63  }
0x17: {  	_ =	swait.ge [sflag:s14], $0x2A00  }
0x18: {  	[sflag:s14] =	ssyncset.done $0x0  }
0x19: {  	[sflag:s14] =	ssyncadd.s32 $0xFFFFD600  }
0x1a: {  	[bflag:$0x0] =	sbarrier.arrive $0xFFFF  }
0x1b: {  	[tilespmem:s16], [sflag:$0x1] =	stream.indirect.gather [hbm4b:s4+s15], $0x80, s3, s15, $0xb8;
	[tilespmem:$0x1FB80] =	vst v63  }
0x1c: {  	_ = 	snop  }
0x1d: {  	[tilespmem:s17], [sflag:$0x4] =	stream.linear.gather [hbm4b:s7+s3], $0x80, $0x38;
	[tilespmem:$0x1FB80] =	vst v63  }
0x1e: {  	_ = 	snop  }
0x1f: {  	[tilespmem:s18], [sflag:$0x2] =	stream.indirect.gather [hbm4b:s4+s15], $0x80, s15, s15, $0xb8;
	[tilespmem:$0x1FB80] =	vst v63  }
0x20: {  	s22 =	simm.s32 $0xC0;
	s23 =	smov.u32 s12;
	s24 =	simm.s32 $0x0  }
0x21: {  	[tilespmem:s19], [sflag:$0x5] =	stream.linear.gather [hbm4b:s9+s3], $0x80, $0x38;
	[tilespmem:$0x1FB80] =	vst v63  }
.LBB2_2:
0x22: {  	s25 =	smul.u32 $0xAB, s24;
	_ =	sdelay $0x1  }
0x23: {  	s26 =	sshrl.u32 s25, $0x9  }
0x24: {  	s26 =	sand.u32 $0x7F, s26  }
0x25: {  	s26 =	smul.u32 $0x3, s26  }
0x26: {  	s25 =	sadd.s32 $0x156, s25  }
0x27: {  	s25 =	sshrl.u32 s25, $0x9;
	s26 =	ssub.s32 s24, s26  }
0x28: {  	s25 =	sand.u32 $0x7F, s25;
	s26 =	sand.u32 $0xFF, s26  }
0x29: {  	s25 =	smul.u32 $0x3, s25;
	s28 =	sadd.s32 $0x1, s26  }
0x2a: {  	p0 =	seq.s32 s24, $0x0;
	_ =	swait.ge [sflag:s28], $0x3000  }
0x2b: {  	s25 =	ssub.s32 s24, s25;
	s29 =	smul.u32 $0xC000, s26;
	[sflag:s28] =	ssyncset.done $0x0  }
0x2c: {  	s31 =	sor.u32 $0x4, s26;
	s25 =	sadd.s32 $0x2, s25;
	[sflag:s28] =	ssyncadd.s32 $0xFFFFD000  }
0x2d: {  	s30 =	sshll.u32 s26, $0x7;
	s26 =	sadd.s32 $0x7, s26;
	_ =	swait.ge [sflag:s31], $0x80  }
0x2e: {  	s30 =	sor.u32 $0x2A00, s30;
	s29 =	sshrl.u32 s29, $0x2;
	[sflag:s31] =	ssyncset.done $0x0  }
0x2f: {  	s25 =	sand.u32 $0xFF, s25;
	s29 =	sadd.s32 $0x2B80, s29;
	[sflag:s31] =	ssyncadd.s32 $0xFFFFFF80  }
0x30: {  	[spmem:s2] =	stream.indirect.scatter.add.f32 [tilespmem:s29], [sflag:s26], $0x80, s30, s15, $0xb8;
	[tilespmem:$0x1FB80] =	vst v63  }
0x31: {  	s26 =	sadd.s32 @!p0 $0x7, s25  }
0x32: {  	p1 =	sgt.u32 @!p0 s24, $0x6D;
	_ =	swait.ge @!p0 [sflag:s26], $0x3000  }
0x33: {  	p1 =	por p0, !p1;
	[sflag:s26] =	ssyncset.done @!p0 $0x0  }
0x34: {  	[sflag:s26] =	ssyncadd.s32 @!p0 $0xFFFFD000;
	s26 =	smul.u32 @p1 $0xC000, s25;
	_ =	sdelay $0x1  }
0x35: {  	s24 =	sadd.s32 $0x1, s24;
	s26 =	sshrl.u32 @p1 s26, $0x2  }
0x36: {  	s28 =	sadd.s32 @p1 $0x1, s25;
	p0 =	sne.s32 s24, $0x70;
	s26 =	sadd.s32 @p1 $0x2B80, s26  }
0x37: {  	[tilespmem:s26], [sflag:s28] =	stream.indirect.gather @p1 [hbm4b:s4+s15], $0x80, s22, s15, $0xb8;
	[tilespmem:$0x1FB80] =	vst v63  }
.Ltmp0:
0x38: {  	_ = 	snop;
	(pc) =	sbr.rel @p0 .LBB2_2-.Ltmp0, $4  }
0x39: {  	s26 =	sshll.u32 @p1 s25, $0x7  }
0x3a: {  	s25 =	sadd.s32 @p1 $0x4, s25;
	s26 =	sadd.s32 @p1 $0x2A00, s26  }
0x3b: {  	[tilespmem:s26], [sflag:s25] =	stream.linear.gather @p1 [hbm4b:s23+s3], $0x80, $0x38;
	[tilespmem:$0x1FB80] =	vst v63  }
0x3c: {  	s22 =	sadd.s32 $0x60, s22;
	s23 =	sadd.s32 $0x10, s23  }
0x3d: {  	_ =	swait.ge [sflag:s20], $0x3000  }
0x3e: {  	s21 =	sadd.s32 $0x1, s21;
	[sflag:s20] =	ssyncset.done $0x0  }
0x3f: {  	p0 =	sne.s32 s21, s11;
	[sflag:s20] =	ssyncadd.s32 $0xFFFFD000  }
.Ltmp1:
0x40: {  	[bflag:$0x0] =	sbarrier.arrive $0xFFFF;
	(pc) =	sbr.rel @p0 .LBB2_1-.Ltmp1, $4  }
0x41: {  	[hbm:s10], [sflag:s6] =	dma.local [spmem:s13], $0x2800  }
0x42: {  	_ =	swait.ge [sflag:s14], $0x2800  }
0x43: {  	[sflag:s14] =	ssyncset.done $0x0  }
0x44: {  	[sflag:s14] =	ssyncadd.s32 $0xFFFFD800  }
0x45: {  	_ =	sfence.sel $0x180000  }
0x46: {  	[bflag:$0x0] =	sbarrier.arrive $0xFFFF  }
0x47: {  	p0 =	sne.s32 s0, $0x0;
	_ =	strace $0x9000004A  }
0x48: {  	s0 =	sadd.s32 @!p0 $0x100000, s1;
	[bflag:$0x2] =	sbarrier.arrive $0xFFFF  }
0x49: {  	[sflag:s0] =	ssyncadd.tile.s32 @!p0 $0x1;
	_ =	shalt  }
.Lfunc_end2:
_tile_overlayer_lowered:
.L_overlay_start_2:
0x4a: {  	(tag) =	ssettag $0x2  }
0x4b: {  	s0 =	rddreg [dreg:$0x0];
	s2 =	stileid.u32  }
0x4c: {  	s1 =	rddreg [dreg:$0x1];
	p0 =	sne.s32 s2, $0x0  }
0x4d: {  	s3 =	rddreg [dreg:$0x2];
	[bflag:$0x3] =	sbarrier.arrive $0xFFFF;
	s2 =	simm.s32 @!p0 $0x1C0A  }
0x4e: {  	[timem:s3], [sflag:s2] =	dma.local @!p0 [hbm:s0], s1  }
0x4f: {  	s0 =	simm.s32 @!p0 $0xA  }
0x50: {  	_ =	swait.ge @!p0 [sflag:s0], s1  }
0x51: {  	s1 =	ssub.s32 @!p0 $0x0, s1;
	[sflag:s0] =	ssyncset.done @!p0 $0x0  }
0x52: {  	[sflag:s0] =	ssyncadd.s32 @!p0 s1  }
0x53: {  	[bflag:$0x3] =	sbarrier.arrive $0xFFFF  }
0x54: {  	_ =	shalt  }

</sc_bundles>
